<compile_context>
chip_gen: v7x
topology: tpu7x:2x2x1
jax: 0.10.2.dev20260603
libtpu: 0.0.44.dev20260713+nightly
codegen_flags: <defaults>
</compile_context>

<pallas_src>
import functools

import jax
import jax.numpy as jnp
from jax import lax
from jax.experimental import pallas as pl
from jax.experimental.pallas import tpu as pltpu
from jax.experimental.pallas import tpu_sc as plsc

_B, _N, _K, _C = 2, 4096, 16, 256
_TN = 256
_CP = 16


def _knn_body(ct_ref, cT_ref, idx_ref):
    b = pl.program_id(0)
    ct = ct_ref[0]
    cT = cT_ref[0]
    sq_t = jnp.sum(ct * ct, axis=1, keepdims=True)
    sq_all = jnp.sum(cT * cT, axis=0, keepdims=True)
    dots = lax.dot_general(ct, cT, (((1,), (0,)), ((), ())),
                           preferred_element_type=jnp.float32)
    d = sq_t + sq_all - 2.0 * dots
    t16 = jnp.min(d[:, 0:_N // 16], axis=1, keepdims=True)
    for i in range(1, 16):
        blk = d[:, i * (_N // 16):(i + 1) * (_N // 16)]
        t16 = jnp.maximum(t16, jnp.min(blk, axis=1, keepdims=True))
    scale = 524287.0 / jnp.maximum(t16, 1e-30)
    q = jnp.clip(d * scale, 0.0, 524287.0).astype(jnp.int32)
    iota = lax.broadcasted_iota(jnp.int32, (_TN, _N), 1)
    t = pl.program_id(1)
    base = b * _N
    row = t * _TN + lax.broadcasted_iota(jnp.int32, (_TN,), 0)
    big = jnp.int32(2**31 - 1)
    key = (q << 12) | iota
    idx_ref[0, :, 0] = row + base
    key = jnp.where(iota == row[:, None], big, key)
    for k in range(1, _K):
        kmin = jnp.min(key, axis=1)
        idx_ref[0, :, k] = (kmin & 4095) + base
        if k < _K - 1:
            key = jnp.where(key == kmin[:, None], big, key)


def _knn_topk(coords_pad, coords_T):
    grid = (_B, _N // _TN)
    return pl.pallas_call(
        _knn_body,
        grid=grid,
        in_specs=[
            pl.BlockSpec((1, _TN, _CP), lambda b, t: (b, t, 0)),
            pl.BlockSpec((1, _CP, _N), lambda b, t: (b, 0, 0)),
        ],
        out_specs=pl.BlockSpec((1, _TN, _K), lambda b, t: (b, t, 0)),
        out_shape=jax.ShapeDtypeStruct((_B, _N, _K), jnp.int32),
    )(coords_pad, coords_T)


_NC, _NS = 2, 16
_NW = _NC * _NS
_TOT = _B * _K * _N
_PER_W = _TOT // _NW


@functools.cache
def _sc_gather_kernel():
    @functools.partial(
        pl.kernel,
        mesh=plsc.VectorSubcoreMesh(core_axis_name="c", subcore_axis_name="s"),
        out_type=jax.ShapeDtypeStruct((_TOT, _CP), jnp.float32),
        compiler_params=pltpu.CompilerParams(use_tc_tiling_on_sc=False),
        scratch_types=[
            pltpu.VMEM((_PER_W,), jnp.int32),
            pltpu.VMEM((_PER_W, _CP), jnp.float32),
            pltpu.SemaphoreType.DMA,
        ],
    )
    def body(table_hbm, idx_hbm, out_hbm, idx_v, rows_v, sem):
        wid = lax.axis_index("s") * _NC + lax.axis_index("c")
        base = wid * _PER_W
        pltpu.sync_copy(idx_hbm.at[pl.ds(base, _PER_W)], idx_v)
        pltpu.async_copy(table_hbm.at[idx_v], rows_v, sem).wait()
        pltpu.sync_copy(rows_v, out_hbm.at[pl.ds(base, _PER_W)])

    return body


def _sc_gather(table, idx):
    return _sc_gather_kernel()(table, idx)


def _attn_body(f_ref, ci_ref, knn_ref, phiT_ref, g1T_ref, g2bf_ref, acat_ref,
               vcat_ref, s1p_ref, s1b_ref, bcomb_ref, g1b_ref, g2b_ref,
               bv_ref, out_ref, af_s, uc_s, bu_s):
    b = pl.program_id(0)
    t = pl.program_id(1)

    @pl.when((b == 0) & (t == 0))
    def _():
        g1T = g1T_ref[...]
        af_s[...] = jnp.dot(phiT_ref[...], g1T,
                            preferred_element_type=jnp.float32)
        uc_s[...] = jnp.dot(acat_ref[...], g1T,
                            preferred_element_type=jnp.float32)
        bu_s[...] = jnp.dot(bcomb_ref[...], g1T,
                            preferred_element_type=jnp.float32) + g1b_ref[...]

    f = f_ref[0]
    fg = jnp.dot(f, af_s[...], preferred_element_type=jnp.float32) + bu_s[...]
    ci = ci_ref[0]
    g2bf = g2bf_ref[...]
    g2b = g2b_ref[...]
    bv = bv_ref[...]
    s1p = s1p_ref[...]
    s1b = s1b_ref[...]
    uc = uc_s[...]
    vc = vcat_ref[...]
    knn_slab = knn_ref[0].reshape(_K * _TN, _CP)
    cit = jnp.concatenate([ci] * _K, axis=0)
    delta = cit - knn_slab
    r1 = jnp.maximum(
        jnp.dot(delta, s1p, preferred_element_type=jnp.float32) + s1b, 0.0)
    cat = jnp.concatenate([knn_slab, r1], axis=1)
    uvu = jnp.dot(cat, uc, preferred_element_type=jnp.float32)
    uvv = jnp.dot(cat, vc, preferred_element_type=jnp.float32) + bv
    hs = []
    for k in range(_K):
        u = fg + uvu[k * _TN:(k + 1) * _TN]
        hs.append(jnp.maximum(u, 0.0).astype(jnp.bfloat16))
    h_slab = jnp.concatenate(hs, axis=0)
    logit = jnp.dot(h_slab, g2bf, preferred_element_type=jnp.float32) + g2b
    e = jnp.exp(logit)
    r = 1.0 / jnp.sum(e, axis=1, keepdims=True)
    acc = jnp.zeros((_TN, _C), jnp.float32)
    for k in range(_K):
        sl = slice(k * _TN, (k + 1) * _TN)
        acc = acc + (e[sl] * r[sl]) * uvv[sl]
    out_ref[0] = acc


def _attn(features, coords_pad, knn_coords, phiT, g1T, g2T, a_cat, v_cat,
          s1p, s1b, b_comb, g1b, g2b, b_v):
    grid = (_B, _N // _TN)
    full = lambda shape: pl.BlockSpec(shape, lambda b, t: (0,) * len(shape))
    return pl.pallas_call(
        _attn_body,
        grid=grid,
        in_specs=[
            pl.BlockSpec((1, _TN, _C), lambda b, t: (b, t, 0)),
            pl.BlockSpec((1, _TN, _CP), lambda b, t: (b, t, 0)),
            pl.BlockSpec((1, _K, _TN, _CP), lambda b, t: (b, 0, t, 0)),
            full((_C, _C)), full((_C, _C)), full((_C, _C)),
            full((32, _C)), full((32, _C)),
            full((_CP, _CP)), full((1, _CP)),
            full((1, _C)), full((1, _C)), full((1, _C)), full((1, _C)),
        ],
        out_specs=pl.BlockSpec((1, _TN, _C), lambda b, t: (b, t, 0)),
        out_shape=jax.ShapeDtypeStruct((_B, _N, _C), jnp.float32),
        scratch_shapes=[
            pltpu.VMEM((_C, _C), jnp.float32),
            pltpu.VMEM((32, _C), jnp.float32),
            pltpu.VMEM((1, _C), jnp.float32),
        ],
    )(features, coords_pad, knn_coords, phiT, g1T, g2T, a_cat, v_cat,
      s1p, s1b, b_comb, g1b, g2b, b_v)


def kernel(coords, features, phi_w, phi_b, psi_w, psi_b, g1_w, g1_b,
           g2_w, g2_b, s1_w, s1_b, s2_w, s2_b, a_w, a_b):
    f32 = jnp.float32
    coords_pad = jnp.zeros((_B, _N, _CP), f32).at[:, :, :3].set(coords)
    coords_T = jnp.swapaxes(coords_pad, 1, 2)

    idx = _knn_topk(coords_pad, coords_T)
    idx_km = jnp.swapaxes(idx, 1, 2)
    table = coords_pad.reshape(_B * _N, _CP)
    knn_flat = _sc_gather(table, idx_km.reshape(_TOT))
    knn_coords = knn_flat.reshape(_B, _K, _N, _CP)

    pad3 = lambda w: jnp.zeros((_CP, _C), f32).at[:3, :].set(w.T)
    a_cat = jnp.concatenate([-pad3(psi_w), pad3(s2_w)], axis=0)
    v_cat = jnp.concatenate([pad3(a_w), pad3(s2_w)], axis=0)
    s1p = jnp.zeros((_CP, _CP), f32).at[:3, :3].set(s1_w.T)
    s1bp = jnp.zeros((1, _CP), f32).at[0, :3].set(s1_b)
    b_comb = (phi_b - psi_b + s2_b)[None, :]
    b_v = (a_b + s2_b)[None, :]

    return _attn(features, coords_pad, knn_coords,
                 phi_w.T, g1_w.T, g2_w.T.astype(jnp.bfloat16), a_cat, v_cat,
                 s1p, s1bp, b_comb, g1b=g1_b[None, :], g2b=g2_b[None, :],
                 b_v=b_v)

# --- scband reference (transcript-rebuilt; emitter-appended) ---
"""Pipeline reference for scband-point-transformer-layer-34926674051780 (READ-ONLY COPY).

The authoritative reference and input builder live on the scoring server;
editing this copy changes nothing except your own understanding.
"""

import jax, jax.numpy as jnp
import numpy as np

B, N, K, C = 2, 4096, 16, 256

def _lin(x, w, b):
    return x @ w.T + b

def find_knn(coords, k):
    sq = jnp.sum(coords * coords, axis=-1)
    d = sq[:, :, None] + sq[:, None, :] - 2.0 * jnp.einsum('bnd,bmd->bnm', coords, coords)
    _, idx = jax.lax.top_k(-d, k)
    return idx

def index_points(points, idx):
    return jax.vmap(lambda p, i: p[i])(points, idx)

def setup_inputs(seed: int = 0):
    key = jax.random.key(seed)
    ks = [jax.random.fold_in(key, i) for i in range(20)]
    def w(k, o, i):
        return jax.random.normal(k, (o, i), dtype=jnp.float32) * (1.0 / np.sqrt(i))
    inp = {}
    inp['coords'] = jax.random.normal(ks[0], (B, N, 3), dtype=jnp.float32)
    inp['features'] = jax.random.normal(ks[1], (B, N, C), dtype=jnp.float32)
    inp['phi_w'] = w(ks[2], C, C); inp['phi_b'] = jnp.zeros((C,), jnp.float32)
    inp['psi_w'] = w(ks[3], C, 3); inp['psi_b'] = jnp.zeros((C,), jnp.float32)
    inp['g1_w'] = w(ks[4], C, C); inp['g1_b'] = jnp.zeros((C,), jnp.float32)
    inp['g2_w'] = w(ks[5], C, C); inp['g2_b'] = jnp.zeros((C,), jnp.float32)
    inp['s1_w'] = w(ks[6], 3, 3); inp['s1_b'] = jnp.zeros((3,), jnp.float32)
    inp['s2_w'] = w(ks[7], C, 3); inp['s2_b'] = jnp.zeros((C,), jnp.float32)
    inp['a_w'] = w(ks[8], C, 3); inp['a_b'] = jnp.zeros((C,), jnp.float32)
    return inp

def reference(coords, features, phi_w, phi_b, psi_w, psi_b, g1_w, g1_b, g2_w, g2_b, s1_w, s1_b, s2_w, s2_b, a_w, a_b):
    f4 = features[:, :, None, :]
    knn_idx = find_knn(coords, K)
    knn_coords = index_points(coords, knn_idx)
    xi = _lin(f4, phi_w, phi_b)
    xj = _lin(knn_coords, psi_w, psi_b)
    pos = _lin(jax.nn.relu(_lin(coords[:, :, None, :] - knn_coords, s1_w, s1_b)), s2_w, s2_b)
    attn = _lin(jax.nn.relu(_lin(xi - xj + pos, g1_w, g1_b)), g2_w, g2_b)
    attn = jax.nn.softmax(attn, axis=-1)
    values = _lin(knn_coords, a_w, a_b) + pos
    return jnp.sum(attn * values, axis=2)

if __name__ == "__main__":
    import jax
    _d = setup_inputs()
    print(jax.jit(kernel)(*tuple(_d.values())))

</pallas_src>

<mosaic_0001>
#map = affine_map<(d0, d1) -> (0, 0)>
#map1 = affine_map<(d0, d1) -> (0)>
module attributes {stable_mosaic.version = 14 : i64} {
  func.func @body(%arg0: i32, %arg1: i32, %arg2: memref<8192x16xf32, #tpu.memory_space<hbm>>, %arg3: memref<131072xi32, #tpu.memory_space<hbm>>, %arg4: memref<131072x16xf32, #tpu.memory_space<hbm>>, %arg5: memref<4096xi32, #tpu.memory_space<vmem>>, %arg6: memref<4096x16xf32, #tpu.memory_space<vmem>>, %arg7: memref<!tpu.dma_semaphore, #tpu.memory_space<semaphore_mem>>) attributes {dimension_semantics = [#tpu.dimension_semantics<core_parallel>, #tpu.dimension_semantics<subcore_parallel>], iteration_bounds = array<i64: 2, 16>, scalar_prefetch = 0 : i64, scratch_operands = 3 : i64, tpu.core_type = #tpu.core_type<sc_vector_subcore>, window_params = [{transform_indices = #map}, {transform_indices = #map1}, {transform_indices = #map}]} {
    %mul3A = arith.constant 2 : i32
    %mul3A_0 = arith.muli %arg1, %mul3A : i32
    %add3A = arith.addi %mul3A_0, %arg0 : i32
    %mul3A_1 = arith.constant 4096 : i32
    %mul3A_2 = arith.muli %add3A, %mul3A_1 : i32
    "tpu.region"() ({
      %run_scoped3A = tpu.sem_alloc : memref<!tpu.dma_semaphore, #tpu.memory_space<semaphore_mem>>
      %dma_start3A_7 = tpu.memref_slice %arg3[%mul3A_2] : memref<131072xi32, #tpu.memory_space<hbm>> -> memref<4096xi32, #tpu.memory_space<hbm>>
      %dma_start3A_8 = tpu.memref_slice %arg3[%mul3A_2] : memref<131072xi32, #tpu.memory_space<hbm>> -> memref<4096xi32, #tpu.memory_space<hbm>>
      tpu.enqueue_dma source(%dma_start3A_8 : memref<4096xi32, #tpu.memory_space<hbm>>) target(%arg5 : memref<4096xi32, #tpu.memory_space<vmem>>) target_semaphore(%run_scoped3A : memref<!tpu.dma_semaphore, #tpu.memory_space<semaphore_mem>>)
      %dma_wait3A_9 = tpu.memref_slice %arg3[%mul3A_2] : memref<131072xi32, #tpu.memory_space<hbm>> -> memref<4096xi32, #tpu.memory_space<hbm>>
      %dma_wait3A_10 = tpu.memref_slice %arg3[%mul3A_2] : memref<131072xi32, #tpu.memory_space<hbm>> -> memref<4096xi32, #tpu.memory_space<hbm>>
      tpu.wait_dma2 semaphore(%run_scoped3A : memref<!tpu.dma_semaphore, #tpu.memory_space<semaphore_mem>>) src(%dma_wait3A_10 : memref<4096xi32, #tpu.memory_space<hbm>>) dst(%arg5 : memref<4096xi32, #tpu.memory_space<vmem>>)
      tpu.yield
    }) : () -> ()
    %dma_start3A = arith.constant 0 : i32
    %dma_start3A_3 = arith.constant 0 : i32
    %dma_start3A_4 = tpu.memref_slice %arg2[%dma_start3A, %dma_start3A_3] : memref<8192x16xf32, #tpu.memory_space<hbm>> -> memref<8192x16xf32, #tpu.memory_space<hbm>>
    tpu.enqueue_indirect_dma source(%dma_start3A_4 : memref<8192x16xf32, #tpu.memory_space<hbm>>) target(%arg6 : memref<4096x16xf32, #tpu.memory_space<vmem>>) offsets(%arg5 : memref<4096xi32, #tpu.memory_space<vmem>>) semaphore(%arg7 : memref<!tpu.dma_semaphore, #tpu.memory_space<semaphore_mem>>)
    %dma_wait3A = arith.constant 0 : i32
    %dma_wait3A_5 = arith.constant 0 : i32
    %dma_wait3A_6 = tpu.memref_slice %arg2[%dma_wait3A, %dma_wait3A_5] : memref<8192x16xf32, #tpu.memory_space<hbm>> -> memref<8192x16xf32, #tpu.memory_space<hbm>>
    tpu.wait_indirect_dma semaphore(%arg7 : memref<!tpu.dma_semaphore, #tpu.memory_space<semaphore_mem>>) src(%dma_wait3A_6 : memref<8192x16xf32, #tpu.memory_space<hbm>>) dst(%arg6 : memref<4096x16xf32, #tpu.memory_space<vmem>>)
    "tpu.region"() ({
      %run_scoped3A = tpu.sem_alloc : memref<!tpu.dma_semaphore, #tpu.memory_space<semaphore_mem>>
      %dma_start3A_7 = arith.constant 0 : i32
      %dma_start3A_8 = tpu.memref_slice %arg4[%mul3A_2, %dma_start3A_7] : memref<131072x16xf32, #tpu.memory_space<hbm>> -> memref<4096x16xf32, #tpu.memory_space<hbm>>
      %dma_start3A_9 = arith.constant 0 : i32
      %dma_start3A_10 = tpu.memref_slice %arg4[%mul3A_2, %dma_start3A_9] : memref<131072x16xf32, #tpu.memory_space<hbm>> -> memref<4096x16xf32, #tpu.memory_space<hbm>>
      tpu.enqueue_dma source(%arg6 : memref<4096x16xf32, #tpu.memory_space<vmem>>) target(%dma_start3A_10 : memref<4096x16xf32, #tpu.memory_space<hbm>>) target_semaphore(%run_scoped3A : memref<!tpu.dma_semaphore, #tpu.memory_space<semaphore_mem>>)
      %dma_wait3A_11 = arith.constant 0 : i32
      %dma_wait3A_12 = tpu.memref_slice %arg4[%mul3A_2, %dma_wait3A_11] : memref<131072x16xf32, #tpu.memory_space<hbm>> -> memref<4096x16xf32, #tpu.memory_space<hbm>>
      %dma_wait3A_13 = arith.constant 0 : i32
      %dma_wait3A_14 = tpu.memref_slice %arg4[%mul3A_2, %dma_wait3A_13] : memref<131072x16xf32, #tpu.memory_space<hbm>> -> memref<4096x16xf32, #tpu.memory_space<hbm>>
      tpu.wait_dma2 semaphore(%run_scoped3A : memref<!tpu.dma_semaphore, #tpu.memory_space<semaphore_mem>>) src(%arg6 : memref<4096x16xf32, #tpu.memory_space<vmem>>) dst(%dma_wait3A_14 : memref<4096x16xf32, #tpu.memory_space<hbm>>)
      tpu.yield
    }) : () -> ()
    return
  }
}

module attributes {stable_mosaic.version = 14 : i64} {
  func.func @_knn_body(%arg0: i32, %arg1: i32, %arg2: memref<1x256x16xf32, #tpu.memory_space<vmem>>, %arg3: memref<1x16x4096xf32, #tpu.memory_space<vmem>>, %arg4: memref<1x256x16xi32, #tpu.memory_space<vmem>>) attributes {dimension_semantics = [#tpu.dimension_semantics<arbitrary>, #tpu.dimension_semantics<arbitrary>], iteration_bounds = array<i64: 2, 16>, scalar_prefetch = 0 : i64, scratch_operands = 0 : i64, tpu.core_type = #tpu.core_type<tc>, window_params = [{transform_indices = @transform_0, window_bounds = array<i64: 1, 256, 16>}, {transform_indices = @transform_1, window_bounds = array<i64: 1, 16, 4096>}, {transform_indices = @transform_2, window_bounds = array<i64: 1, 256, 16>}]} {
    %get3A = arith.constant 0 : index
    %get3A_0 = arith.constant 0 : index
    %get3A_1 = arith.constant 0 : index
    %get3A_2 = vector.load %arg2[%get3A, %get3A_0, %get3A_1] : memref<1x256x16xf32, #tpu.memory_space<vmem>>, vector<1x256x16xf32>
    %get3A_3 = vector.shape_cast %get3A_2 : vector<1x256x16xf32> to vector<256x16xf32>
    %get3A_4 = arith.constant 0 : index
    %get3A_5 = arith.constant 0 : index
    %get3A_6 = arith.constant 0 : index
    %get3A_7 = vector.load %arg3[%get3A_4, %get3A_5, %get3A_6] : memref<1x16x4096xf32, #tpu.memory_space<vmem>>, vector<1x16x4096xf32>
    %get3A_8 = vector.shape_cast %get3A_7 : vector<1x16x4096xf32> to vector<16x4096xf32>
    %mul3A = arith.mulf %get3A_3, %get3A_3 : vector<256x16xf32>
    %reduce_sum3A = arith.constant dense<0.000000e+00> : vector<256xf32>
    %reduce_sum3A_9 = vector.multi_reduction <add>, %mul3A, %reduce_sum3A [1] : vector<256x16xf32> to vector<256xf32>
    %broadcast_in_dim3A = vector.shape_cast %reduce_sum3A_9 : vector<256xf32> to vector<256x1xf32>
    %mul3A_10 = arith.mulf %get3A_8, %get3A_8 : vector<16x4096xf32>
    %reduce_sum3A_11 = arith.constant dense<0.000000e+00> : vector<4096xf32>
    %reduce_sum3A_12 = vector.multi_reduction <add>, %mul3A_10, %reduce_sum3A_11 [0] : vector<16x4096xf32> to vector<4096xf32>
    %broadcast_in_dim3A_13 = vector.shape_cast %reduce_sum3A_12 : vector<4096xf32> to vector<1x4096xf32>
    %dot_general3A = arith.constant dense<0.000000e+00> : vector<256x4096xf32>
    %dot_general3A_14 = tpu.matmul %get3A_3, %get3A_8, %dot_general3A {dimension_numbers = #tpu.dot_dimension_numbers<[1], [0], [0], [1], [0, 0, 1, 1], [], []>, transpose_lhs_hint = false} : vector<256x16xf32>, vector<16x4096xf32>, vector<256x4096xf32> -> vector<256x4096xf32>
    %add3A = vector.broadcast %broadcast_in_dim3A : vector<256x1xf32> to vector<256x4096xf32>
    %add3A_15 = vector.broadcast %broadcast_in_dim3A_13 : vector<1x4096xf32> to vector<256x4096xf32>
    %add3A_16 = arith.addf %add3A, %add3A_15 : vector<256x4096xf32>
    %mul3A_17 = arith.constant 2.000000e+00 : f32
    %mul3A_18 = vector.broadcast %mul3A_17 : f32 to vector<256x4096xf32>
    %mul3A_19 = arith.mulf %mul3A_18, %dot_general3A_14 : vector<256x4096xf32>
    %sub3A = arith.subf %add3A_16, %mul3A_19 : vector<256x4096xf32>
    %slice3A = vector.extract_strided_slice %sub3A {offsets = [0, 0], sizes = [256, 256], strides = [1, 1]} : vector<256x4096xf32> to vector<256x256xf32>
    %reduce_min3A = arith.constant dense<0x7F800000> : vector<256xf32>
    %reduce_min3A_20 = vector.multi_reduction <minimumf>, %slice3A, %reduce_min3A [1] : vector<256x256xf32> to vector<256xf32>
    %broadcast_in_dim3A_21 = vector.shape_cast %reduce_min3A_20 : vector<256xf32> to vector<256x1xf32>
    %slice3A_22 = vector.extract_strided_slice %sub3A {offsets = [0, 256], sizes = [256, 256], strides = [1, 1]} : vector<256x4096xf32> to vector<256x256xf32>
    %reduce_min3A_23 = arith.constant dense<0x7F800000> : vector<256xf32>
    %reduce_min3A_24 = vector.multi_reduction <minimumf>, %slice3A_22, %reduce_min3A_23 [1] : vector<256x256xf32> to vector<256xf32>
    %broadcast_in_dim3A_25 = vector.shape_cast %reduce_min3A_24 : vector<256xf32> to vector<256x1xf32>
    %max3A = arith.maximumf %broadcast_in_dim3A_21, %broadcast_in_dim3A_25 : vector<256x1xf32>
    %slice3A_26 = vector.extract_strided_slice %sub3A {offsets = [0, 512], sizes = [256, 256], strides = [1, 1]} : vector<256x4096xf32> to vector<256x256xf32>
    %reduce_min3A_27 = arith.constant dense<0x7F800000> : vector<256xf32>
    %reduce_min3A_28 = vector.multi_reduction <minimumf>, %slice3A_26, %reduce_min3A_27 [1] : vector<256x256xf32> to vector<256xf32>
    %broadcast_in_dim3A_29 = vector.shape_cast %reduce_min3A_28 : vector<256xf32> to vector<256x1xf32>
    %max3A_30 = arith.maximumf %max3A, %broadcast_in_dim3A_29 : vector<256x1xf32>
    %slice3A_31 = vector.extract_strided_slice %sub3A {offsets = [0, 768], sizes = [256, 256], strides = [1, 1]} : vector<256x4096xf32> to vector<256x256xf32>
    %reduce_min3A_32 = arith.constant dense<0x7F800000> : vector<256xf32>
    %reduce_min3A_33 = vector.multi_reduction <minimumf>, %slice3A_31, %reduce_min3A_32 [1] : vector<256x256xf32> to vector<256xf32>
    %broadcast_in_dim3A_34 = vector.shape_cast %reduce_min3A_33 : vector<256xf32> to vector<256x1xf32>
    %max3A_35 = arith.maximumf %max3A_30, %broadcast_in_dim3A_34 : vector<256x1xf32>
    %slice3A_36 = vector.extract_strided_slice %sub3A {offsets = [0, 1024], sizes = [256, 256], strides = [1, 1]} : vector<256x4096xf32> to vector<256x256xf32>
    %reduce_min3A_37 = arith.constant dense<0x7F800000> : vector<256xf32>
    %reduce_min3A_38 = vector.multi_reduction <minimumf>, %slice3A_36, %reduce_min3A_37 [1] : vector<256x256xf32> to vector<256xf32>
    %broadcast_in_dim3A_39 = vector.shape_cast %reduce_min3A_38 : vector<256xf32> to vector<256x1xf32>
    %max3A_40 = arith.maximumf %max3A_35, %broadcast_in_dim3A_39 : vector<256x1xf32>
    %slice3A_41 = vector.extract_strided_slice %sub3A {offsets = [0, 1280], sizes = [256, 256], strides = [1, 1]} : vector<256x4096xf32> to vector<256x256xf32>
    %reduce_min3A_42 = arith.constant dense<0x7F800000> : vector<256xf32>
    %reduce_min3A_43 = vector.multi_reduction <minimumf>, %slice3A_41, %reduce_min3A_42 [1] : vector<256x256xf32> to vector<256xf32>
    %broadcast_in_dim3A_44 = vector.shape_cast %reduce_min3A_43 : vector<256xf32> to vector<256x1xf32>
    %max3A_45 = arith.maximumf %max3A_40, %broadcast_in_dim3A_44 : vector<256x1xf32>
    %slice3A_46 = vector.extract_strided_slice %sub3A {offsets = [0, 1536], sizes = [256, 256], strides = [1, 1]} : vector<256x4096xf32> to vector<256x256xf32>
    %reduce_min3A_47 = arith.constant dense<0x7F800000> : vector<256xf32>
    %reduce_min3A_48 = vector.multi_reduction <minimumf>, %slice3A_46, %reduce_min3A_47 [1] : vector<256x256xf32> to vector<256xf32>
    %broadcast_in_dim3A_49 = vector.shape_cast %reduce_min3A_48 : vector<256xf32> to vector<256x1xf32>
    %max3A_50 = arith.maximumf %max3A_45, %broadcast_in_dim3A_49 : vector<256x1xf32>
    %slice3A_51 = vector.extract_strided_slice %sub3A {offsets = [0, 1792], sizes = [256, 256], strides = [1, 1]} : vector<256x4096xf32> to vector<256x256xf32>
    %reduce_min3A_52 = arith.constant dense<0x7F800000> : vector<256xf32>
    %reduce_min3A_53 = vector.multi_reduction <minimumf>, %slice3A_51, %reduce_min3A_52 [1] : vector<256x256xf32> to vector<256xf32>
    %broadcast_in_dim3A_54 = vector.shape_cast %reduce_min3A_53 : vector<256xf32> to vector<256x1xf32>
    %max3A_55 = arith.maximumf %max3A_50, %broadcast_in_dim3A_54 : vector<256x1xf32>
    %slice3A_56 = vector.extract_strided_slice %sub3A {offsets = [0, 2048], sizes = [256, 256], strides = [1, 1]} : vector<256x4096xf32> to vector<256x256xf32>
    %reduce_min3A_57 = arith.constant dense<0x7F800000> : vector<256xf32>
    %reduce_min3A_58 = vector.multi_reduction <minimumf>, %slice3A_56, %reduce_min3A_57 [1] : vector<256x256xf32> to vector<256xf32>
    %broadcast_in_dim3A_59 = vector.shape_cast %reduce_min3A_58 : vector<256xf32> to vector<256x1xf32>
    %max3A_60 = arith.maximumf %max3A_55, %broadcast_in_dim3A_59 : vector<256x1xf32>
    %slice3A_61 = vector.extract_strided_slice %sub3A {offsets = [0, 2304], sizes = [256, 256], strides = [1, 1]} : vector<256x4096xf32> to vector<256x256xf32>
    %reduce_min3A_62 = arith.constant dense<0x7F800000> : vector<256xf32>
    %reduce_min3A_63 = vector.multi_reduction <minimumf>, %slice3A_61, %reduce_min3A_62 [1] : vector<256x256xf32> to vector<256xf32>
    %broadcast_in_dim3A_64 = vector.shape_cast %reduce_min3A_63 : vector<256xf32> to vector<256x1xf32>
    %max3A_65 = arith.maximumf %max3A_60, %broadcast_in_dim3A_64 : vector<256x1xf32>
    %slice3A_66 = vector.extract_strided_slice %sub3A {offsets = [0, 2560], sizes = [256, 256], strides = [1, 1]} : vector<256x4096xf32> to vector<256x256xf32>
    %reduce_min3A_67 = arith.constant dense<0x7F800000> : vector<256xf32>
    %reduce_min3A_68 = vector.multi_reduction <minimumf>, %slice3A_66, %reduce_min3A_67 [1] : vector<256x256xf32> to vector<256xf32>
    %broadcast_in_dim3A_69 = vector.shape_cast %reduce_min3A_68 : vector<256xf32> to vector<256x1xf32>
    %max3A_70 = arith.maximumf %max3A_65, %broadcast_in_dim3A_69 : vector<256x1xf32>
    %slice3A_71 = vector.extract_strided_slice %sub3A {offsets = [0, 2816], sizes = [256, 256], strides = [1, 1]} : vector<256x4096xf32> to vector<256x256xf32>
    %reduce_min3A_72 = arith.constant dense<0x7F800000> : vector<256xf32>
    %reduce_min3A_73 = vector.multi_reduction <minimumf>, %slice3A_71, %reduce_min3A_72 [1] : vector<256x256xf32> to vector<256xf32>
    %broadcast_in_dim3A_74 = vector.shape_cast %reduce_min3A_73 : vector<256xf32> to vector<256x1xf32>
    %max3A_75 = arith.maximumf %max3A_70, %broadcast_in_dim3A_74 : vector<256x1xf32>
    %slice3A_76 = vector.extract_strided_slice %sub3A {offsets = [0, 3072], sizes = [256, 256], strides = [1, 1]} : vector<256x4096xf32> to vector<256x256xf32>
    %reduce_min3A_77 = arith.constant dense<0x7F800000> : vector<256xf32>
    %reduce_min3A_78 = vector.multi_reduction <minimumf>, %slice3A_76, %reduce_min3A_77 [1] : vector<256x256xf32> to vector<256xf32>
    %broadcast_in_dim3A_79 = vector.shape_cast %reduce_min3A_78 : vector<256xf32> to vector<256x1xf32>
    %max3A_80 = arith.maximumf %max3A_75, %broadcast_in_dim3A_79 : vector<256x1xf32>
    %slice3A_81 = vector.extract_strided_slice %sub3A {offsets = [0, 3328], sizes = [256, 256], strides = [1, 1]} : vector<256x4096xf32> to vector<256x256xf32>
    %reduce_min3A_82 = arith.constant dense<0x7F800000> : vector<256xf32>
    %reduce_min3A_83 = vector.multi_reduction <minimumf>, %slice3A_81, %reduce_min3A_82 [1] : vector<256x256xf32> to vector<256xf32>
    %broadcast_in_dim3A_84 = vector.shape_cast %reduce_min3A_83 : vector<256xf32> to vector<256x1xf32>
    %max3A_85 = arith.maximumf %max3A_80, %broadcast_in_dim3A_84 : vector<256x1xf32>
    %slice3A_86 = vector.extract_strided_slice %sub3A {offsets = [0, 3584], sizes = [256, 256], strides = [1, 1]} : vector<256x4096xf32> to vector<256x256xf32>
    %reduce_min3A_87 = arith.constant dense<0x7F800000> : vector<256xf32>
    %reduce_min3A_88 = vector.multi_reduction <minimumf>, %slice3A_86, %reduce_min3A_87 [1] : vector<256x256xf32> to vector<256xf32>
    %broadcast_in_dim3A_89 = vector.shape_cast %reduce_min3A_88 : vector<256xf32> to vector<256x1xf32>
    %max3A_90 = arith.maximumf %max3A_85, %broadcast_in_dim3A_89 : vector<256x1xf32>
    %slice3A_91 = vector.extract_strided_slice %sub3A {offsets = [0, 3840], sizes = [256, 256], strides = [1, 1]} : vector<256x4096xf32> to vector<256x256xf32>
    %reduce_min3A_92 = arith.constant dense<0x7F800000> : vector<256xf32>
    %reduce_min3A_93 = vector.multi_reduction <minimumf>, %slice3A_91, %reduce_min3A_92 [1] : vector<256x256xf32> to vector<256xf32>
    %broadcast_in_dim3A_94 = vector.shape_cast %reduce_min3A_93 : vector<256xf32> to vector<256x1xf32>
    %max3A_95 = arith.maximumf %max3A_90, %broadcast_in_dim3A_94 : vector<256x1xf32>
    %max3A_96 = arith.constant 1.000000e-30 : f32
    %max3A_97 = vector.broadcast %max3A_96 : f32 to vector<256x1xf32>
    %max3A_98 = arith.maximumf %max3A_95, %max3A_97 : vector<256x1xf32>
    %div3A = arith.constant 5.242870e+05 : f32
    %div3A_99 = vector.broadcast %div3A : f32 to vector<256x1xf32>
    %div3A_100 = arith.divf %div3A_99, %max3A_98 : vector<256x1xf32>
    %mul3A_101 = vector.broadcast %div3A_100 : vector<256x1xf32> to vector<256x4096xf32>
    %mul3A_102 = arith.mulf %sub3A, %mul3A_101 : vector<256x4096xf32>
    %jit3A = arith.constant 0.000000e+00 : f32
    %jit3A_103 = arith.constant 5.242870e+05 : f32
    %max3A_104 = vector.broadcast %jit3A : f32 to vector<256x4096xf32>
    %max3A_105 = arith.maximumf %max3A_104, %mul3A_102 : vector<256x4096xf32>
    %min3A = vector.broadcast %jit3A_103 : f32 to vector<256x4096xf32>
    %min3A_106 = arith.minimumf %min3A, %max3A_105 : vector<256x4096xf32>
    %convert_element_type3A = arith.fptosi %min3A_106 : vector<256x4096xf32> to vector<256x4096xi32>
    %iota3A = tpu.iota {dimensions = array<i32: 1>} : vector<256x4096xi32>
    %mul3A_107 = arith.constant 4096 : i32
    %mul3A_108 = arith.muli %arg0, %mul3A_107 : i32
    %mul3A_109 = arith.constant 256 : i32
    %mul3A_110 = arith.muli %arg1, %mul3A_109 : i32
    %iota3A_111 = tpu.iota {dimensions = array<i32: 1>} : vector<1x256xi32>
    %iota3A_112 = vector.shape_cast %iota3A_111 : vector<1x256xi32> to vector<256xi32>
    %add3A_113 = vector.broadcast %mul3A_110 : i32 to vector<256xi32>
    %add3A_114 = arith.addi %add3A_113, %iota3A_112 : vector<256xi32>
    %shift_left3A = arith.constant 12 : i32
    %shift_left3A_115 = vector.broadcast %shift_left3A : i32 to vector<256x4096xi32>
    %shift_left3A_116 = arith.shli %convert_element_type3A, %shift_left3A_115 : vector<256x4096xi32>
    %or3A = arith.ori %shift_left3A_116, %iota3A : vector<256x4096xi32>
    %add3A_117 = vector.broadcast %mul3A_108 : i32 to vector<256xi32>
    %add3A_118 = arith.addi %add3A_114, %add3A_117 : vector<256xi32>
    %swap3A = arith.constant 0 : index
    %swap3A_119 = arith.constant 0 : index
    %swap3A_120 = arith.constant 0 : index
    %swap3A_121 = vector.load %arg4[%swap3A, %swap3A_119, %swap3A_120] : memref<1x256x16xi32, #tpu.memory_space<vmem>>, vector<1x256x1xi32>
    %swap3A_122 = vector.shape_cast %swap3A_121 : vector<1x256x1xi32> to vector<256xi32>
    %swap3A_123 = vector.shape_cast %add3A_118 : vector<256xi32> to vector<1x256x1xi32>
    tpu.vector_store %arg4[%swap3A, %swap3A_119, %swap3A_120], %swap3A_123 {strides = array<i32>} : memref<1x256x16xi32, #tpu.memory_space<vmem>>, vector<1x256x1xi32>,
    %broadcast_in_dim3A_124 = vector.shape_cast %add3A_114 : vector<256xi32> to vector<256x1xi32>
    %eq3A = vector.broadcast %broadcast_in_dim3A_124 : vector<256x1xi32> to vector<256x4096xi32>
    %eq3A_125 = arith.cmpi eq, %iota3A, %eq3A : vector<256x4096xi32>
    %jit3A_126 = arith.constant 2147483647 : i32
    %broadcast_in_dim3A_127 = vector.broadcast %jit3A_126 : i32 to vector<256x4096xi32>
    %select_n3A = arith.select %eq3A_125, %broadcast_in_dim3A_127, %or3A : vector<256x4096xi1>, vector<256x4096xi32>
    %reduce_min3A_128 = arith.constant dense<2147483647> : vector<256xi32>
    %reduce_min3A_129 = vector.multi_reduction <minsi>, %select_n3A, %reduce_min3A_128 [1] : vector<256x4096xi32> to vector<256xi32>
    %and3A = arith.constant 4095 : i32
    %and3A_130 = vector.broadcast %and3A : i32 to vector<256xi32>
    %and3A_131 = arith.andi %reduce_min3A_129, %and3A_130 : vector<256xi32>
    %add3A_132 = vector.broadcast %mul3A_108 : i32 to vector<256xi32>
    %add3A_133 = arith.addi %and3A_131, %add3A_132 : vector<256xi32>
    %swap3A_134 = arith.constant 0 : index
    %swap3A_135 = arith.constant 0 : index
    %swap3A_136 = arith.constant 1 : index
    %swap3A_137 = vector.load %arg4[%swap3A_134, %swap3A_135, %swap3A_136] : memref<1x256x16xi32, #tpu.memory_space<vmem>>, vector<1x256x1xi32>
    %swap3A_138 = vector.shape_cast %swap3A_137 : vector<1x256x1xi32> to vector<256xi32>
    %swap3A_139 = vector.shape_cast %add3A_133 : vector<256xi32> to vector<1x256x1xi32>
    tpu.vector_store %arg4[%swap3A_134, %swap3A_135, %swap3A_136], %swap3A_139 {strides = array<i32>} : memref<1x256x16xi32, #tpu.memory_space<vmem>>, vector<1x256x1xi32>,
    %broadcast_in_dim3A_140 = vector.shape_cast %reduce_min3A_129 : vector<256xi32> to vector<256x1xi32>
    %eq3A_141 = vector.broadcast %broadcast_in_dim3A_140 : vector<256x1xi32> to vector<256x4096xi32>
    %eq3A_142 = arith.cmpi eq, %select_n3A, %eq3A_141 : vector<256x4096xi32>
    %jit3A_143 = arith.constant 2147483647 : i32
    %broadcast_in_dim3A_144 = vector.broadcast %jit3A_143 : i32 to vector<256x4096xi32>
    %select_n3A_145 = arith.select %eq3A_142, %broadcast_in_dim3A_144, %select_n3A : vector<256x4096xi1>, vector<256x4096xi32>
    %reduce_min3A_146 = arith.constant dense<2147483647> : vector<256xi32>
    %reduce_min3A_147 = vector.multi_reduction <minsi>, %select_n3A_145, %reduce_min3A_146 [1] : vector<256x4096xi32> to vector<256xi32>
    %and3A_148 = arith.constant 4095 : i32
    %and3A_149 = vector.broadcast %and3A_148 : i32 to vector<256xi32>
    %and3A_150 = arith.andi %reduce_min3A_147, %and3A_149 : vector<256xi32>
    %add3A_151 = vector.broadcast %mul3A_108 : i32 to vector<256xi32>
    %add3A_152 = arith.addi %and3A_150, %add3A_151 : vector<256xi32>
    %swap3A_153 = arith.constant 0 : index
    %swap3A_154 = arith.constant 0 : index
    %swap3A_155 = arith.constant 2 : index
    %swap3A_156 = vector.load %arg4[%swap3A_153, %swap3A_154, %swap3A_155] : memref<1x256x16xi32, #tpu.memory_space<vmem>>, vector<1x256x1xi32>
    %swap3A_157 = vector.shape_cast %swap3A_156 : vector<1x256x1xi32> to vector<256xi32>
    %swap3A_158 = vector.shape_cast %add3A_152 : vector<256xi32> to vector<1x256x1xi32>
    tpu.vector_store %arg4[%swap3A_153, %swap3A_154, %swap3A_155], %swap3A_158 {strides = array<i32>} : memref<1x256x16xi32, #tpu.memory_space<vmem>>, vector<1x256x1xi32>,
    %broadcast_in_dim3A_159 = vector.shape_cast %reduce_min3A_147 : vector<256xi32> to vector<256x1xi32>
    %eq3A_160 = vector.broadcast %broadcast_in_dim3A_159 : vector<256x1xi32> to vector<256x4096xi32>
    %eq3A_161 = arith.cmpi eq, %select_n3A_145, %eq3A_160 : vector<256x4096xi32>
    %jit3A_162 = arith.constant 2147483647 : i32
    %broadcast_in_dim3A_163 = vector.broadcast %jit3A_162 : i32 to vector<256x4096xi32>
    %select_n3A_164 = arith.select %eq3A_161, %broadcast_in_dim3A_163, %select_n3A_145 : vector<256x4096xi1>, vector<256x4096xi32>
    %reduce_min3A_165 = arith.constant dense<2147483647> : vector<256xi32>
    %reduce_min3A_166 = vector.multi_reduction <minsi>, %select_n3A_164, %reduce_min3A_165 [1] : vector<256x4096xi32> to vector<256xi32>
    %and3A_167 = arith.constant 4095 : i32
    %and3A_168 = vector.broadcast %and3A_167 : i32 to vector<256xi32>
    %and3A_169 = arith.andi %reduce_min3A_166, %and3A_168 : vector<256xi32>
    %add3A_170 = vector.broadcast %mul3A_108 : i32 to vector<256xi32>
    %add3A_171 = arith.addi %and3A_169, %add3A_170 : vector<256xi32>
    %swap3A_172 = arith.constant 0 : index
    %swap3A_173 = arith.constant 0 : index
    %swap3A_174 = arith.constant 3 : index
    %swap3A_175 = vector.load %arg4[%swap3A_172, %swap3A_173, %swap3A_174] : memref<1x256x16xi32, #tpu.memory_space<vmem>>, vector<1x256x1xi32>
    %swap3A_176 = vector.shape_cast %swap3A_175 : vector<1x256x1xi32> to vector<256xi32>
    %swap3A_177 = vector.shape_cast %add3A_171 : vector<256xi32> to vector<1x256x1xi32>
    tpu.vector_store %arg4[%swap3A_172, %swap3A_173, %swap3A_174], %swap3A_177 {strides = array<i32>} : memref<1x256x16xi32, #tpu.memory_space<vmem>>, vector<1x256x1xi32>,
    %broadcast_in_dim3A_178 = vector.shape_cast %reduce_min3A_166 : vector<256xi32> to vector<256x1xi32>
    %eq3A_179 = vector.broadcast %broadcast_in_dim3A_178 : vector<256x1xi32> to vector<256x4096xi32>
    %eq3A_180 = arith.cmpi eq, %select_n3A_164, %eq3A_179 : vector<256x4096xi32>
    %jit3A_181 = arith.constant 2147483647 : i32
    %broadcast_in_dim3A_182 = vector.broadcast %jit3A_181 : i32 to vector<256x4096xi32>
    %select_n3A_183 = arith.select %eq3A_180, %broadcast_in_dim3A_182, %select_n3A_164 : vector<256x4096xi1>, vector<256x4096xi32>
    %reduce_min3A_184 = arith.constant dense<2147483647> : vector<256xi32>
    %reduce_min3A_185 = vector.multi_reduction <minsi>, %select_n3A_183, %reduce_min3A_184 [1] : vector<256x4096xi32> to vector<256xi32>
    %and3A_186 = arith.constant 4095 : i32
    %and3A_187 = vector.broadcast %and3A_186 : i32 to vector<256xi32>
    %and3A_188 = arith.andi %reduce_min3A_185, %and3A_187 : vector<256xi32>
    %add3A_189 = vector.broadcast %mul3A_108 : i32 to vector<256xi32>
    %add3A_190 = arith.addi %and3A_188, %add3A_189 : vector<256xi32>
    %swap3A_191 = arith.constant 0 : index
    %swap3A_192 = arith.constant 0 : index
    %swap3A_193 = arith.constant 4 : index
    %swap3A_194 = vector.load %arg4[%swap3A_191, %swap3A_192, %swap3A_193] : memref<1x256x16xi32, #tpu.memory_space<vmem>>, vector<1x256x1xi32>
    %swap3A_195 = vector.shape_cast %swap3A_194 : vector<1x256x1xi32> to vector<256xi32>
    %swap3A_196 = vector.shape_cast %add3A_190 : vector<256xi32> to vector<1x256x1xi32>
    tpu.vector_store %arg4[%swap3A_191, %swap3A_192, %swap3A_193], %swap3A_196 {strides = array<i32>} : memref<1x256x16xi32, #tpu.memory_space<vmem>>, vector<1x256x1xi32>,
    %broadcast_in_dim3A_197 = vector.shape_cast %reduce_min3A_185 : vector<256xi32> to vector<256x1xi32>
    %eq3A_198 = vector.broadcast %broadcast_in_dim3A_197 : vector<256x1xi32> to vector<256x4096xi32>
    %eq3A_199 = arith.cmpi eq, %select_n3A_183, %eq3A_198 : vector<256x4096xi32>
    %jit3A_200 = arith.constant 2147483647 : i32
    %broadcast_in_dim3A_201 = vector.broadcast %jit3A_200 : i32 to vector<256x4096xi32>
    %select_n3A_202 = arith.select %eq3A_199, %broadcast_in_dim3A_201, %select_n3A_183 : vector<256x4096xi1>, vector<256x4096xi32>
    %reduce_min3A_203 = arith.constant dense<2147483647> : vector<256xi32>
    %reduce_min3A_204 = vector.multi_reduction <minsi>, %select_n3A_202, %reduce_min3A_203 [1] : vector<256x4096xi32> to vector<256xi32>
    %and3A_205 = arith.constant 4095 : i32
    %and3A_206 = vector.broadcast %and3A_205 : i32 to vector<256xi32>
    %and3A_207 = arith.andi %reduce_min3A_204, %and3A_206 : vector<256xi32>
    %add3A_208 = vector.broadcast %mul3A_108 : i32 to vector<256xi32>
    %add3A_209 = arith.addi %and3A_207, %add3A_208 : vector<256xi32>
    %swap3A_210 = arith.constant 0 : index
    %swap3A_211 = arith.constant 0 : index
    %swap3A_212 = arith.constant 5 : index
    %swap3A_213 = vector.load %arg4[%swap3A_210, %swap3A_211, %swap3A_212] : memref<1x256x16xi32, #tpu.memory_space<vmem>>, vector<1x256x1xi32>
    %swap3A_214 = vector.shape_cast %swap3A_213 : vector<1x256x1xi32> to vector<256xi32>
    %swap3A_215 = vector.shape_cast %add3A_209 : vector<256xi32> to vector<1x256x1xi32>
    tpu.vector_store %arg4[%swap3A_210, %swap3A_211, %swap3A_212], %swap3A_215 {strides = array<i32>} : memref<1x256x16xi32, #tpu.memory_space<vmem>>, vector<1x256x1xi32>,
    %broadcast_in_dim3A_216 = vector.shape_cast %reduce_min3A_204 : vector<256xi32> to vector<256x1xi32>
    %eq3A_217 = vector.broadcast %broadcast_in_dim3A_216 : vector<256x1xi32> to vector<256x4096xi32>
    %eq3A_218 = arith.cmpi eq, %select_n3A_202, %eq3A_217 : vector<256x4096xi32>
    %jit3A_219 = arith.constant 2147483647 : i32
    %broadcast_in_dim3A_220 = vector.broadcast %jit3A_219 : i32 to vector<256x4096xi32>
    %select_n3A_221 = arith.select %eq3A_218, %broadcast_in_dim3A_220, %select_n3A_202 : vector<256x4096xi1>, vector<256x4096xi32>
    %reduce_min3A_222 = arith.constant dense<2147483647> : vector<256xi32>
    %reduce_min3A_223 = vector.multi_reduction <minsi>, %select_n3A_221, %reduce_min3A_222 [1] : vector<256x4096xi32> to vector<256xi32>
    %and3A_224 = arith.constant 4095 : i32
    %and3A_225 = vector.broadcast %and3A_224 : i32 to vector<256xi32>
    %and3A_226 = arith.andi %reduce_min3A_223, %and3A_225 : vector<256xi32>
    %add3A_227 = vector.broadcast %mul3A_108 : i32 to vector<256xi32>
    %add3A_228 = arith.addi %and3A_226, %add3A_227 : vector<256xi32>
    %swap3A_229 = arith.constant 0 : index
    %swap3A_230 = arith.constant 0 : index
    %swap3A_231 = arith.constant 6 : index
    %swap3A_232 = vector.load %arg4[%swap3A_229, %swap3A_230, %swap3A_231] : memref<1x256x16xi32, #tpu.memory_space<vmem>>, vector<1x256x1xi32>
    %swap3A_233 = vector.shape_cast %swap3A_232 : vector<1x256x1xi32> to vector<256xi32>
    %swap3A_234 = vector.shape_cast %add3A_228 : vector<256xi32> to vector<1x256x1xi32>
    tpu.vector_store %arg4[%swap3A_229, %swap3A_230, %swap3A_231], %swap3A_234 {strides = array<i32>} : memref<1x256x16xi32, #tpu.memory_space<vmem>>, vector<1x256x1xi32>,
    %broadcast_in_dim3A_235 = vector.shape_cast %reduce_min3A_223 : vector<256xi32> to vector<256x1xi32>
    %eq3A_236 = vector.broadcast %broadcast_in_dim3A_235 : vector<256x1xi32> to vector<256x4096xi32>
    %eq3A_237 = arith.cmpi eq, %select_n3A_221, %eq3A_236 : vector<256x4096xi32>
    %jit3A_238 = arith.constant 2147483647 : i32
    %broadcast_in_dim3A_239 = vector.broadcast %jit3A_238 : i32 to vector<256x4096xi32>
    %select_n3A_240 = arith.select %eq3A_237, %broadcast_in_dim3A_239, %select_n3A_221 : vector<256x4096xi1>, vector<256x4096xi32>
    %reduce_min3A_241 = arith.constant dense<2147483647> : vector<256xi32>
    %reduce_min3A_242 = vector.multi_reduction <minsi>, %select_n3A_240, %reduce_min3A_241 [1] : vector<256x4096xi32> to vector<256xi32>
    %and3A_243 = arith.constant 4095 : i32
    %and3A_244 = vector.broadcast %and3A_243 : i32 to vector<256xi32>
    %and3A_245 = arith.andi %reduce_min3A_242, %and3A_244 : vector<256xi32>
    %add3A_246 = vector.broadcast %mul3A_108 : i32 to vector<256xi32>
    %add3A_247 = arith.addi %and3A_245, %add3A_246 : vector<256xi32>
    %swap3A_248 = arith.constant 0 : index
    %swap3A_249 = arith.constant 0 : index
    %swap3A_250 = arith.constant 7 : index
    %swap3A_251 = vector.load %arg4[%swap3A_248, %swap3A_249, %swap3A_250] : memref<1x256x16xi32, #tpu.memory_space<vmem>>, vector<1x256x1xi32>
    %swap3A_252 = vector.shape_cast %swap3A_251 : vector<1x256x1xi32> to vector<256xi32>
    %swap3A_253 = vector.shape_cast %add3A_247 : vector<256xi32> to vector<1x256x1xi32>
    tpu.vector_store %arg4[%swap3A_248, %swap3A_249, %swap3A_250], %swap3A_253 {strides = array<i32>} : memref<1x256x16xi32, #tpu.memory_space<vmem>>, vector<1x256x1xi32>,
    %broadcast_in_dim3A_254 = vector.shape_cast %reduce_min3A_242 : vector<256xi32> to vector<256x1xi32>
    %eq3A_255 = vector.broadcast %broadcast_in_dim3A_254 : vector<256x1xi32> to vector<256x4096xi32>
    %eq3A_256 = arith.cmpi eq, %select_n3A_240, %eq3A_255 : vector<256x4096xi32>
    %jit3A_257 = arith.constant 2147483647 : i32
    %broadcast_in_dim3A_258 = vector.broadcast %jit3A_257 : i32 to vector<256x4096xi32>
    %select_n3A_259 = arith.select %eq3A_256, %broadcast_in_dim3A_258, %select_n3A_240 : vector<256x4096xi1>, vector<256x4096xi32>
    %reduce_min3A_260 = arith.constant dense<2147483647> : vector<256xi32>
    %reduce_min3A_261 = vector.multi_reduction <minsi>, %select_n3A_259, %reduce_min3A_260 [1] : vector<256x4096xi32> to vector<256xi32>
    %and3A_262 = arith.constant 4095 : i32
    %and3A_263 = vector.broadcast %and3A_262 : i32 to vector<256xi32>
    %and3A_264 = arith.andi %reduce_min3A_261, %and3A_263 : vector<256xi32>
    %add3A_265 = vector.broadcast %mul3A_108 : i32 to vector<256xi32>
    %add3A_266 = arith.addi %and3A_264, %add3A_265 : vector<256xi32>
    %swap3A_267 = arith.constant 0 : index
    %swap3A_268 = arith.constant 0 : index
    %swap3A_269 = arith.constant 8 : index
    %swap3A_270 = vector.load %arg4[%swap3A_267, %swap3A_268, %swap3A_269] : memref<1x256x16xi32, #tpu.memory_space<vmem>>, vector<1x256x1xi32>
    %swap3A_271 = vector.shape_cast %swap3A_270 : vector<1x256x1xi32> to vector<256xi32>
    %swap3A_272 = vector.shape_cast %add3A_266 : vector<256xi32> to vector<1x256x1xi32>
    tpu.vector_store %arg4[%swap3A_267, %swap3A_268, %swap3A_269], %swap3A_272 {strides = array<i32>} : memref<1x256x16xi32, #tpu.memory_space<vmem>>, vector<1x256x1xi32>,
    %broadcast_in_dim3A_273 = vector.shape_cast %reduce_min3A_261 : vector<256xi32> to vector<256x1xi32>
    %eq3A_274 = vector.broadcast %broadcast_in_dim3A_273 : vector<256x1xi32> to vector<256x4096xi32>
    %eq3A_275 = arith.cmpi eq, %select_n3A_259, %eq3A_274 : vector<256x4096xi32>
    %jit3A_276 = arith.constant 2147483647 : i32
    %broadcast_in_dim3A_277 = vector.broadcast %jit3A_276 : i32 to vector<256x4096xi32>
    %select_n3A_278 = arith.select %eq3A_275, %broadcast_in_dim3A_277, %select_n3A_259 : vector<256x4096xi1>, vector<256x4096xi32>
    %reduce_min3A_279 = arith.constant dense<2147483647> : vector<256xi32>
    %reduce_min3A_280 = vector.multi_reduction <minsi>, %select_n3A_278, %reduce_min3A_279 [1] : vector<256x4096xi32> to vector<256xi32>
    %and3A_281 = arith.constant 4095 : i32
    %and3A_282 = vector.broadcast %and3A_281 : i32 to vector<256xi32>
    %and3A_283 = arith.andi %reduce_min3A_280, %and3A_282 : vector<256xi32>
    %add3A_284 = vector.broadcast %mul3A_108 : i32 to vector<256xi32>
    %add3A_285 = arith.addi %and3A_283, %add3A_284 : vector<256xi32>
    %swap3A_286 = arith.constant 0 : index
    %swap3A_287 = arith.constant 0 : index
    %swap3A_288 = arith.constant 9 : index
    %swap3A_289 = vector.load %arg4[%swap3A_286, %swap3A_287, %swap3A_288] : memref<1x256x16xi32, #tpu.memory_space<vmem>>, vector<1x256x1xi32>
    %swap3A_290 = vector.shape_cast %swap3A_289 : vector<1x256x1xi32> to vector<256xi32>
    %swap3A_291 = vector.shape_cast %add3A_285 : vector<256xi32> to vector<1x256x1xi32>
    tpu.vector_store %arg4[%swap3A_286, %swap3A_287, %swap3A_288], %swap3A_291 {strides = array<i32>} : memref<1x256x16xi32, #tpu.memory_space<vmem>>, vector<1x256x1xi32>,
    %broadcast_in_dim3A_292 = vector.shape_cast %reduce_min3A_280 : vector<256xi32> to vector<256x1xi32>
    %eq3A_293 = vector.broadcast %broadcast_in_dim3A_292 : vector<256x1xi32> to vector<256x4096xi32>
    %eq3A_294 = arith.cmpi eq, %select_n3A_278, %eq3A_293 : vector<256x4096xi32>
    %jit3A_295 = arith.constant 2147483647 : i32
    %broadcast_in_dim3A_296 = vector.broadcast %jit3A_295 : i32 to vector<256x4096xi32>
    %select_n3A_297 = arith.select %eq3A_294, %broadcast_in_dim3A_296, %select_n3A_278 : vector<256x4096xi1>, vector<256x4096xi32>
    %reduce_min3A_298 = arith.constant dense<2147483647> : vector<256xi32>
    %reduce_min3A_299 = vector.multi_reduction <minsi>, %select_n3A_297, %reduce_min3A_298 [1] : vector<256x4096xi32> to vector<256xi32>
    %and3A_300 = arith.constant 4095 : i32
    %and3A_301 = vector.broadcast %and3A_300 : i32 to vector<256xi32>
    %and3A_302 = arith.andi %reduce_min3A_299, %and3A_301 : vector<256xi32>
    %add3A_303 = vector.broadcast %mul3A_108 : i32 to vector<256xi32>
    %add3A_304 = arith.addi %and3A_302, %add3A_303 : vector<256xi32>
    %swap3A_305 = arith.constant 0 : index
    %swap3A_306 = arith.constant 0 : index
    %swap3A_307 = arith.constant 10 : index
    %swap3A_308 = vector.load %arg4[%swap3A_305, %swap3A_306, %swap3A_307] : memref<1x256x16xi32, #tpu.memory_space<vmem>>, vector<1x256x1xi32>
    %swap3A_309 = vector.shape_cast %swap3A_308 : vector<1x256x1xi32> to vector<256xi32>
    %swap3A_310 = vector.shape_cast %add3A_304 : vector<256xi32> to vector<1x256x1xi32>
    tpu.vector_store %arg4[%swap3A_305, %swap3A_306, %swap3A_307], %swap3A_310 {strides = array<i32>} : memref<1x256x16xi32, #tpu.memory_space<vmem>>, vector<1x256x1xi32>,
    %broadcast_in_dim3A_311 = vector.shape_cast %reduce_min3A_299 : vector<256xi32> to vector<256x1xi32>
    %eq3A_312 = vector.broadcast %broadcast_in_dim3A_311 : vector<256x1xi32> to vector<256x4096xi32>
    %eq3A_313 = arith.cmpi eq, %select_n3A_297, %eq3A_312 : vector<256x4096xi32>
    %jit3A_314 = arith.constant 2147483647 : i32
    %broadcast_in_dim3A_315 = vector.broadcast %jit3A_314 : i32 to vector<256x4096xi32>
    %select_n3A_316 = arith.select %eq3A_313, %broadcast_in_dim3A_315, %select_n3A_297 : vector<256x4096xi1>, vector<256x4096xi32>
    %reduce_min3A_317 = arith.constant dense<2147483647> : vector<256xi32>
    %reduce_min3A_318 = vector.multi_reduction <minsi>, %select_n3A_316, %reduce_min3A_317 [1] : vector<256x4096xi32> to vector<256xi32>
    %and3A_319 = arith.constant 4095 : i32
    %and3A_320 = vector.broadcast %and3A_319 : i32 to vector<256xi32>
    %and3A_321 = arith.andi %reduce_min3A_318, %and3A_320 : vector<256xi32>
    %add3A_322 = vector.broadcast %mul3A_108 : i32 to vector<256xi32>
    %add3A_323 = arith.addi %and3A_321, %add3A_322 : vector<256xi32>
    %swap3A_324 = arith.constant 0 : index
    %swap3A_325 = arith.constant 0 : index
    %swap3A_326 = arith.constant 11 : index
    %swap3A_327 = vector.load %arg4[%swap3A_324, %swap3A_325, %swap3A_326] : memref<1x256x16xi32, #tpu.memory_space<vmem>>, vector<1x256x1xi32>
    %swap3A_328 = vector.shape_cast %swap3A_327 : vector<1x256x1xi32> to vector<256xi32>
    %swap3A_329 = vector.shape_cast %add3A_323 : vector<256xi32> to vector<1x256x1xi32>
    tpu.vector_store %arg4[%swap3A_324, %swap3A_325, %swap3A_326], %swap3A_329 {strides = array<i32>} : memref<1x256x16xi32, #tpu.memory_space<vmem>>, vector<1x256x1xi32>,
    %broadcast_in_dim3A_330 = vector.shape_cast %reduce_min3A_318 : vector<256xi32> to vector<256x1xi32>
    %eq3A_331 = vector.broadcast %broadcast_in_dim3A_330 : vector<256x1xi32> to vector<256x4096xi32>
    %eq3A_332 = arith.cmpi eq, %select_n3A_316, %eq3A_331 : vector<256x4096xi32>
    %jit3A_333 = arith.constant 2147483647 : i32
    %broadcast_in_dim3A_334 = vector.broadcast %jit3A_333 : i32 to vector<256x4096xi32>
    %select_n3A_335 = arith.select %eq3A_332, %broadcast_in_dim3A_334, %select_n3A_316 : vector<256x4096xi1>, vector<256x4096xi32>
    %reduce_min3A_336 = arith.constant dense<2147483647> : vector<256xi32>
    %reduce_min3A_337 = vector.multi_reduction <minsi>, %select_n3A_335, %reduce_min3A_336 [1] : vector<256x4096xi32> to vector<256xi32>
    %and3A_338 = arith.constant 4095 : i32
    %and3A_339 = vector.broadcast %and3A_338 : i32 to vector<256xi32>
    %and3A_340 = arith.andi %reduce_min3A_337, %and3A_339 : vector<256xi32>
    %add3A_341 = vector.broadcast %mul3A_108 : i32 to vector<256xi32>
    %add3A_342 = arith.addi %and3A_340, %add3A_341 : vector<256xi32>
    %swap3A_343 = arith.constant 0 : index
    %swap3A_344 = arith.constant 0 : index
    %swap3A_345 = arith.constant 12 : index
    %swap3A_346 = vector.load %arg4[%swap3A_343, %swap3A_344, %swap3A_345] : memref<1x256x16xi32, #tpu.memory_space<vmem>>, vector<1x256x1xi32>
    %swap3A_347 = vector.shape_cast %swap3A_346 : vector<1x256x1xi32> to vector<256xi32>
    %swap3A_348 = vector.shape_cast %add3A_342 : vector<256xi32> to vector<1x256x1xi32>
    tpu.vector_store %arg4[%swap3A_343, %swap3A_344, %swap3A_345], %swap3A_348 {strides = array<i32>} : memref<1x256x16xi32, #tpu.memory_space<vmem>>, vector<1x256x1xi32>,
    %broadcast_in_dim3A_349 = vector.shape_cast %reduce_min3A_337 : vector<256xi32> to vector<256x1xi32>
    %eq3A_350 = vector.broadcast %broadcast_in_dim3A_349 : vector<256x1xi32> to vector<256x4096xi32>
    %eq3A_351 = arith.cmpi eq, %select_n3A_335, %eq3A_350 : vector<256x4096xi32>
    %jit3A_352 = arith.constant 2147483647 : i32
    %broadcast_in_dim3A_353 = vector.broadcast %jit3A_352 : i32 to vector<256x4096xi32>
    %select_n3A_354 = arith.select %eq3A_351, %broadcast_in_dim3A_353, %select_n3A_335 : vector<256x4096xi1>, vector<256x4096xi32>
    %reduce_min3A_355 = arith.constant dense<2147483647> : vector<256xi32>
    %reduce_min3A_356 = vector.multi_reduction <minsi>, %select_n3A_354, %reduce_min3A_355 [1] : vector<256x4096xi32> to vector<256xi32>
    %and3A_357 = arith.constant 4095 : i32
    %and3A_358 = vector.broadcast %and3A_357 : i32 to vector<256xi32>
    %and3A_359 = arith.andi %reduce_min3A_356, %and3A_358 : vector<256xi32>
    %add3A_360 = vector.broadcast %mul3A_108 : i32 to vector<256xi32>
    %add3A_361 = arith.addi %and3A_359, %add3A_360 : vector<256xi32>
    %swap3A_362 = arith.constant 0 : index
    %swap3A_363 = arith.constant 0 : index
    %swap3A_364 = arith.constant 13 : index
    %swap3A_365 = vector.load %arg4[%swap3A_362, %swap3A_363, %swap3A_364] : memref<1x256x16xi32, #tpu.memory_space<vmem>>, vector<1x256x1xi32>
    %swap3A_366 = vector.shape_cast %swap3A_365 : vector<1x256x1xi32> to vector<256xi32>
    %swap3A_367 = vector.shape_cast %add3A_361 : vector<256xi32> to vector<1x256x1xi32>
    tpu.vector_store %arg4[%swap3A_362, %swap3A_363, %swap3A_364], %swap3A_367 {strides = array<i32>} : memref<1x256x16xi32, #tpu.memory_space<vmem>>, vector<1x256x1xi32>,
    %broadcast_in_dim3A_368 = vector.shape_cast %reduce_min3A_356 : vector<256xi32> to vector<256x1xi32>
    %eq3A_369 = vector.broadcast %broadcast_in_dim3A_368 : vector<256x1xi32> to vector<256x4096xi32>
    %eq3A_370 = arith.cmpi eq, %select_n3A_354, %eq3A_369 : vector<256x4096xi32>
    %jit3A_371 = arith.constant 2147483647 : i32
    %broadcast_in_dim3A_372 = vector.broadcast %jit3A_371 : i32 to vector<256x4096xi32>
    %select_n3A_373 = arith.select %eq3A_370, %broadcast_in_dim3A_372, %select_n3A_354 : vector<256x4096xi1>, vector<256x4096xi32>
    %reduce_min3A_374 = arith.constant dense<2147483647> : vector<256xi32>
    %reduce_min3A_375 = vector.multi_reduction <minsi>, %select_n3A_373, %reduce_min3A_374 [1] : vector<256x4096xi32> to vector<256xi32>
    %and3A_376 = arith.constant 4095 : i32
    %and3A_377 = vector.broadcast %and3A_376 : i32 to vector<256xi32>
    %and3A_378 = arith.andi %reduce_min3A_375, %and3A_377 : vector<256xi32>
    %add3A_379 = vector.broadcast %mul3A_108 : i32 to vector<256xi32>
    %add3A_380 = arith.addi %and3A_378, %add3A_379 : vector<256xi32>
    %swap3A_381 = arith.constant 0 : index
    %swap3A_382 = arith.constant 0 : index
    %swap3A_383 = arith.constant 14 : index
    %swap3A_384 = vector.load %arg4[%swap3A_381, %swap3A_382, %swap3A_383] : memref<1x256x16xi32, #tpu.memory_space<vmem>>, vector<1x256x1xi32>
    %swap3A_385 = vector.shape_cast %swap3A_384 : vector<1x256x1xi32> to vector<256xi32>
    %swap3A_386 = vector.shape_cast %add3A_380 : vector<256xi32> to vector<1x256x1xi32>
    tpu.vector_store %arg4[%swap3A_381, %swap3A_382, %swap3A_383], %swap3A_386 {strides = array<i32>} : memref<1x256x16xi32, #tpu.memory_space<vmem>>, vector<1x256x1xi32>,
    %broadcast_in_dim3A_387 = vector.shape_cast %reduce_min3A_375 : vector<256xi32> to vector<256x1xi32>
    %eq3A_388 = vector.broadcast %broadcast_in_dim3A_387 : vector<256x1xi32> to vector<256x4096xi32>
    %eq3A_389 = arith.cmpi eq, %select_n3A_373, %eq3A_388 : vector<256x4096xi32>
    %jit3A_390 = arith.constant 2147483647 : i32
    %broadcast_in_dim3A_391 = vector.broadcast %jit3A_390 : i32 to vector<256x4096xi32>
    %select_n3A_392 = arith.select %eq3A_389, %broadcast_in_dim3A_391, %select_n3A_373 : vector<256x4096xi1>, vector<256x4096xi32>
    %reduce_min3A_393 = arith.constant dense<2147483647> : vector<256xi32>
    %reduce_min3A_394 = vector.multi_reduction <minsi>, %select_n3A_392, %reduce_min3A_393 [1] : vector<256x4096xi32> to vector<256xi32>
    %and3A_395 = arith.constant 4095 : i32
    %and3A_396 = vector.broadcast %and3A_395 : i32 to vector<256xi32>
    %and3A_397 = arith.andi %reduce_min3A_394, %and3A_396 : vector<256xi32>
    %add3A_398 = vector.broadcast %mul3A_108 : i32 to vector<256xi32>
    %add3A_399 = arith.addi %and3A_397, %add3A_398 : vector<256xi32>
    %swap3A_400 = arith.constant 0 : index
    %swap3A_401 = arith.constant 0 : index
    %swap3A_402 = arith.constant 15 : index
    %swap3A_403 = vector.load %arg4[%swap3A_400, %swap3A_401, %swap3A_402] : memref<1x256x16xi32, #tpu.memory_space<vmem>>, vector<1x256x1xi32>
    %swap3A_404 = vector.shape_cast %swap3A_403 : vector<1x256x1xi32> to vector<256xi32>
    %swap3A_405 = vector.shape_cast %add3A_399 : vector<256xi32> to vector<1x256x1xi32>
    tpu.vector_store %arg4[%swap3A_400, %swap3A_401, %swap3A_402], %swap3A_405 {strides = array<i32>} : memref<1x256x16xi32, #tpu.memory_space<vmem>>, vector<1x256x1xi32>,
    return
  }
  func.func @transform_0(%arg0: i32, %arg1: i32) -> (i32, i32, i32) {
    %c0_i32 = arith.constant 0 : i32
    %c0_i32_0 = arith.constant 0 : i32
    return %arg0, %arg1, %c0_i32 : i32, i32, i32
  }
  func.func @transform_1(%arg0: i32, %arg1: i32) -> (i32, i32, i32) {
    %c0_i32 = arith.constant 0 : i32
    %c0_i32_0 = arith.constant 0 : i32
    %c0_i32_1 = arith.constant 0 : i32
    return %arg0, %c0_i32, %c0_i32_0 : i32, i32, i32
  }
  func.func @transform_2(%arg0: i32, %arg1: i32) -> (i32, i32, i32) {
    %c0_i32 = arith.constant 0 : i32
    %c0_i32_0 = arith.constant 0 : i32
    return %arg0, %arg1, %c0_i32 : i32, i32, i32
  }
}

module attributes {stable_mosaic.version = 14 : i64} {
  func.func @_attn_body(%arg0: i32, %arg1: i32, %arg2: memref<1x256x256xf32, #tpu.memory_space<vmem>>, %arg3: memref<1x256x16xf32, #tpu.memory_space<vmem>>, %arg4: memref<1x16x256x16xf32, #tpu.memory_space<vmem>>, %arg5: memref<256x256xf32, #tpu.memory_space<vmem>>, %arg6: memref<256x256xf32, #tpu.memory_space<vmem>>, %arg7: memref<256x256xbf16, #tpu.memory_space<vmem>>, %arg8: memref<32x256xf32, #tpu.memory_space<vmem>>, %arg9: memref<32x256xf32, #tpu.memory_space<vmem>>, %arg10: memref<16x16xf32, #tpu.memory_space<vmem>>, %arg11: memref<1x16xf32, #tpu.memory_space<vmem>>, %arg12: memref<1x256xf32, #tpu.memory_space<vmem>>, %arg13: memref<1x256xf32, #tpu.memory_space<vmem>>, %arg14: memref<1x256xf32, #tpu.memory_space<vmem>>, %arg15: memref<1x256xf32, #tpu.memory_space<vmem>>, %arg16: memref<1x256x256xf32, #tpu.memory_space<vmem>>, %arg17: memref<256x256xf32, #tpu.memory_space<vmem>>, %arg18: memref<32x256xf32, #tpu.memory_space<vmem>>, %arg19: memref<1x256xf32, #tpu.memory_space<vmem>>) attributes {dimension_semantics = [#tpu.dimension_semantics<arbitrary>, #tpu.dimension_semantics<arbitrary>], iteration_bounds = array<i64: 2, 16>, scalar_prefetch = 0 : i64, scratch_operands = 3 : i64, tpu.core_type = #tpu.core_type<tc>, window_params = [{transform_indices = @transform_0, window_bounds = array<i64: 1, 256, 256>}, {transform_indices = @transform_1, window_bounds = array<i64: 1, 256, 16>}, {transform_indices = @transform_2, window_bounds = array<i64: 1, 16, 256, 16>}, {pipeline_mode = #tpu.pipeline_mode<synchronous>, transform_indices = @transform_3, window_bounds = array<i64: 256, 256>}, {pipeline_mode = #tpu.pipeline_mode<synchronous>, transform_indices = @transform_4, window_bounds = array<i64: 256, 256>}, {pipeline_mode = #tpu.pipeline_mode<synchronous>, transform_indices = @transform_5, window_bounds = array<i64: 256, 256>}, {pipeline_mode = #tpu.pipeline_mode<synchronous>, transform_indices = @transform_6, window_bounds = array<i64: 32, 256>}, {pipeline_mode = #tpu.pipeline_mode<synchronous>, transform_indices = @transform_7, window_bounds = array<i64: 32, 256>}, {pipeline_mode = #tpu.pipeline_mode<synchronous>, transform_indices = @transform_8, window_bounds = array<i64: 16, 16>}, {pipeline_mode = #tpu.pipeline_mode<synchronous>, transform_indices = @transform_9, window_bounds = array<i64: 1, 16>}, {pipeline_mode = #tpu.pipeline_mode<synchronous>, transform_indices = @transform_10, window_bounds = array<i64: 1, 256>}, {pipeline_mode = #tpu.pipeline_mode<synchronous>, transform_indices = @transform_11, window_bounds = array<i64: 1, 256>}, {pipeline_mode = #tpu.pipeline_mode<synchronous>, transform_indices = @transform_12, window_bounds = array<i64: 1, 256>}, {pipeline_mode = #tpu.pipeline_mode<synchronous>, transform_indices = @transform_13, window_bounds = array<i64: 1, 256>}, {transform_indices = @transform_14, window_bounds = array<i64: 1, 256, 256>}]} {
    %eq3A = arith.constant 0 : i32
    %eq3A_0 = arith.cmpi eq, %arg0, %eq3A : i32
    %eq3A_1 = arith.constant 0 : i32
    %eq3A_2 = arith.cmpi eq, %arg1, %eq3A_1 : i32
    %and3A = arith.andi %eq3A_0, %eq3A_2 : i1
    %convert_element_type3A = arith.extui %and3A : i1 to i32
    %cond3A = arith.constant 0 : i32
    %cond3A_3 = arith.cmpi ne, %convert_element_type3A, %cond3A : i32
    scf.if %cond3A_3 {
      %get3A_282 = arith.constant 0 : index
      %get3A_283 = arith.constant 0 : index
      %get3A_284 = vector.load %arg6[%get3A_282, %get3A_283] : memref<256x256xf32, #tpu.memory_space<vmem>>, vector<256x256xf32>
      %get3A_285 = arith.constant 0 : index
      %get3A_286 = arith.constant 0 : index
      %get3A_287 = vector.load %arg5[%get3A_285, %get3A_286] : memref<256x256xf32, #tpu.memory_space<vmem>>, vector<256x256xf32>
      %dot_general3A_288 = arith.constant dense<0.000000e+00> : vector<256x256xf32>
      %dot_general3A_289 = tpu.matmul %get3A_287, %get3A_284, %dot_general3A_288 {dimension_numbers = #tpu.dot_dimension_numbers<[1], [0], [0], [1], [0, 0, 1, 1], [], []>, transpose_lhs_hint = false} : vector<256x256xf32>, vector<256x256xf32>, vector<256x256xf32> -> vector<256x256xf32>
      %swap3A_290 = arith.constant 0 : index
      %swap3A_291 = arith.constant 0 : index
      %swap3A_292 = vector.load %arg17[%swap3A_290, %swap3A_291] : memref<256x256xf32, #tpu.memory_space<vmem>>, vector<256x256xf32>
      tpu.vector_store %arg17[%swap3A_290, %swap3A_291], %dot_general3A_289 {strides = array<i32>} : memref<256x256xf32, #tpu.memory_space<vmem>>, vector<256x256xf32>,
      %get3A_293 = arith.constant 0 : index
      %get3A_294 = arith.constant 0 : index
      %get3A_295 = vector.load %arg8[%get3A_293, %get3A_294] : memref<32x256xf32, #tpu.memory_space<vmem>>, vector<32x256xf32>
      %dot_general3A_296 = arith.constant dense<0.000000e+00> : vector<32x256xf32>
      %dot_general3A_297 = tpu.matmul %get3A_295, %get3A_284, %dot_general3A_296 {dimension_numbers = #tpu.dot_dimension_numbers<[1], [0], [0], [1], [0, 0, 1, 1], [], []>, transpose_lhs_hint = false} : vector<32x256xf32>, vector<256x256xf32>, vector<32x256xf32> -> vector<32x256xf32>
      %swap3A_298 = arith.constant 0 : index
      %swap3A_299 = arith.constant 0 : index
      %swap3A_300 = vector.load %arg18[%swap3A_298, %swap3A_299] : memref<32x256xf32, #tpu.memory_space<vmem>>, vector<32x256xf32>
      tpu.vector_store %arg18[%swap3A_298, %swap3A_299], %dot_general3A_297 {strides = array<i32>} : memref<32x256xf32, #tpu.memory_space<vmem>>, vector<32x256xf32>,
      %get3A_301 = arith.constant 0 : index
      %get3A_302 = arith.constant 0 : index
      %get3A_303 = vector.load %arg12[%get3A_301, %get3A_302] : memref<1x256xf32, #tpu.memory_space<vmem>>, vector<1x256xf32>
      %dot_general3A_304 = arith.constant dense<0.000000e+00> : vector<1x256xf32>
      %dot_general3A_305 = tpu.matmul %get3A_303, %get3A_284, %dot_general3A_304 {dimension_numbers = #tpu.dot_dimension_numbers<[1], [0], [0], [1], [0, 0, 1, 1], [], []>, transpose_lhs_hint = false} : vector<1x256xf32>, vector<256x256xf32>, vector<1x256xf32> -> vector<1x256xf32>
      %get3A_306 = arith.constant 0 : index
      %get3A_307 = arith.constant 0 : index
      %get3A_308 = vector.load %arg13[%get3A_306, %get3A_307] : memref<1x256xf32, #tpu.memory_space<vmem>>, vector<1x256xf32>
      %add3A_309 = arith.addf %dot_general3A_305, %get3A_308 : vector<1x256xf32>
      %swap3A_310 = arith.constant 0 : index
      %swap3A_311 = arith.constant 0 : index
      %swap3A_312 = vector.load %arg19[%swap3A_310, %swap3A_311] : memref<1x256xf32, #tpu.memory_space<vmem>>, vector<1x256xf32>
      tpu.vector_store %arg19[%swap3A_310, %swap3A_311], %add3A_309 {strides = array<i32>} : memref<1x256xf32, #tpu.memory_space<vmem>>, vector<1x256xf32>,
    } else {
    }
    %get3A = arith.constant 0 : index
    %get3A_4 = arith.constant 0 : index
    %get3A_5 = arith.constant 0 : index
    %get3A_6 = vector.load %arg2[%get3A, %get3A_4, %get3A_5] : memref<1x256x256xf32, #tpu.memory_space<vmem>>, vector<1x256x256xf32>
    %get3A_7 = vector.shape_cast %get3A_6 : vector<1x256x256xf32> to vector<256x256xf32>
    %get3A_8 = arith.constant 0 : index
    %get3A_9 = arith.constant 0 : index
    %get3A_10 = vector.load %arg17[%get3A_8, %get3A_9] : memref<256x256xf32, #tpu.memory_space<vmem>>, vector<256x256xf32>
    %dot_general3A = arith.constant dense<0.000000e+00> : vector<256x256xf32>
    %dot_general3A_11 = tpu.matmul %get3A_7, %get3A_10, %dot_general3A {dimension_numbers = #tpu.dot_dimension_numbers<[1], [0], [0], [1], [0, 0, 1, 1], [], []>, transpose_lhs_hint = false} : vector<256x256xf32>, vector<256x256xf32>, vector<256x256xf32> -> vector<256x256xf32>
    %get3A_12 = arith.constant 0 : index
    %get3A_13 = arith.constant 0 : index
    %get3A_14 = vector.load %arg19[%get3A_12, %get3A_13] : memref<1x256xf32, #tpu.memory_space<vmem>>, vector<1x256xf32>
    %add3A = vector.broadcast %get3A_14 : vector<1x256xf32> to vector<256x256xf32>
    %add3A_15 = arith.addf %dot_general3A_11, %add3A : vector<256x256xf32>
    %get3A_16 = arith.constant 0 : index
    %get3A_17 = arith.constant 0 : index
    %get3A_18 = arith.constant 0 : index
    %get3A_19 = vector.load %arg3[%get3A_16, %get3A_17, %get3A_18] : memref<1x256x16xf32, #tpu.memory_space<vmem>>, vector<1x256x16xf32>
    %get3A_20 = vector.shape_cast %get3A_19 : vector<1x256x16xf32> to vector<256x16xf32>
    %get3A_21 = arith.constant 0 : index
    %get3A_22 = arith.constant 0 : index
    %get3A_23 = vector.load %arg7[%get3A_21, %get3A_22] : memref<256x256xbf16, #tpu.memory_space<vmem>>, vector<256x256xbf16>
    %get3A_24 = arith.constant 0 : index
    %get3A_25 = arith.constant 0 : index
    %get3A_26 = vector.load %arg14[%get3A_24, %get3A_25] : memref<1x256xf32, #tpu.memory_space<vmem>>, vector<1x256xf32>
    %get3A_27 = arith.constant 0 : index
    %get3A_28 = arith.constant 0 : index
    %get3A_29 = vector.load %arg15[%get3A_27, %get3A_28] : memref<1x256xf32, #tpu.memory_space<vmem>>, vector<1x256xf32>
    %get3A_30 = arith.constant 0 : index
    %get3A_31 = arith.constant 0 : index
    %get3A_32 = vector.load %arg10[%get3A_30, %get3A_31] : memref<16x16xf32, #tpu.memory_space<vmem>>, vector<16x16xf32>
    %get3A_33 = arith.constant 0 : index
    %get3A_34 = arith.constant 0 : index
    %get3A_35 = vector.load %arg11[%get3A_33, %get3A_34] : memref<1x16xf32, #tpu.memory_space<vmem>>, vector<1x16xf32>
    %get3A_36 = arith.constant 0 : index
    %get3A_37 = arith.constant 0 : index
    %get3A_38 = vector.load %arg18[%get3A_36, %get3A_37] : memref<32x256xf32, #tpu.memory_space<vmem>>, vector<32x256xf32>
    %get3A_39 = arith.constant 0 : index
    %get3A_40 = arith.constant 0 : index
    %get3A_41 = vector.load %arg9[%get3A_39, %get3A_40] : memref<32x256xf32, #tpu.memory_space<vmem>>, vector<32x256xf32>
    %get3A_42 = arith.constant 0 : index
    %get3A_43 = arith.constant 0 : index
    %get3A_44 = arith.constant 0 : index
    %get3A_45 = arith.constant 0 : index
    %get3A_46 = vector.load %arg4[%get3A_42, %get3A_43, %get3A_44, %get3A_45] : memref<1x16x256x16xf32, #tpu.memory_space<vmem>>, vector<1x16x256x16xf32>
    %get3A_47 = vector.shape_cast %get3A_46 : vector<1x16x256x16xf32> to vector<16x256x16xf32>
    %reshape3A = vector.shape_cast %get3A_47 : vector<16x256x16xf32> to vector<4096x16xf32>
    %concatenate3A = tpu.concatenate %get3A_20, %get3A_20, %get3A_20, %get3A_20, %get3A_20, %get3A_20, %get3A_20, %get3A_20, %get3A_20, %get3A_20, %get3A_20, %get3A_20, %get3A_20, %get3A_20, %get3A_20, %get3A_20 in 0 : vector<256x16xf32>, vector<256x16xf32>, vector<256x16xf32>, vector<256x16xf32>, vector<256x16xf32>, vector<256x16xf32>, vector<256x16xf32>, vector<256x16xf32>, vector<256x16xf32>, vector<256x16xf32>, vector<256x16xf32>, vector<256x16xf32>, vector<256x16xf32>, vector<256x16xf32>, vector<256x16xf32>, vector<256x16xf32> -> vector<4096x16xf32>
    %sub3A = arith.subf %concatenate3A, %reshape3A : vector<4096x16xf32>
    %dot_general3A_48 = arith.constant dense<0.000000e+00> : vector<4096x16xf32>
    %dot_general3A_49 = tpu.matmul %sub3A, %get3A_32, %dot_general3A_48 {dimension_numbers = #tpu.dot_dimension_numbers<[1], [0], [0], [1], [0, 0, 1, 1], [], []>, transpose_lhs_hint = false} : vector<4096x16xf32>, vector<16x16xf32>, vector<4096x16xf32> -> vector<4096x16xf32>
    %add3A_50 = vector.broadcast %get3A_35 : vector<1x16xf32> to vector<4096x16xf32>
    %add3A_51 = arith.addf %dot_general3A_49, %add3A_50 : vector<4096x16xf32>
    %max3A = arith.constant 0.000000e+00 : f32
    %max3A_52 = vector.broadcast %max3A : f32 to vector<4096x16xf32>
    %max3A_53 = arith.maximumf %add3A_51, %max3A_52 : vector<4096x16xf32>
    %concatenate3A_54 = tpu.concatenate %reshape3A, %max3A_53 in 1 : vector<4096x16xf32>, vector<4096x16xf32> -> vector<4096x32xf32>
    %dot_general3A_55 = arith.constant dense<0.000000e+00> : vector<4096x256xf32>
    %dot_general3A_56 = tpu.matmul %concatenate3A_54, %get3A_38, %dot_general3A_55 {dimension_numbers = #tpu.dot_dimension_numbers<[1], [0], [0], [1], [0, 0, 1, 1], [], []>, transpose_lhs_hint = false} : vector<4096x32xf32>, vector<32x256xf32>, vector<4096x256xf32> -> vector<4096x256xf32>
    %dot_general3A_57 = arith.constant dense<0.000000e+00> : vector<4096x256xf32>
    %dot_general3A_58 = tpu.matmul %concatenate3A_54, %get3A_41, %dot_general3A_57 {dimension_numbers = #tpu.dot_dimension_numbers<[1], [0], [0], [1], [0, 0, 1, 1], [], []>, transpose_lhs_hint = false} : vector<4096x32xf32>, vector<32x256xf32>, vector<4096x256xf32> -> vector<4096x256xf32>
    %add3A_59 = vector.broadcast %get3A_29 : vector<1x256xf32> to vector<4096x256xf32>
    %add3A_60 = arith.addf %dot_general3A_58, %add3A_59 : vector<4096x256xf32>
    %slice3A = vector.extract_strided_slice %dot_general3A_56 {offsets = [0, 0], sizes = [256, 256], strides = [1, 1]} : vector<4096x256xf32> to vector<256x256xf32>
    %add3A_61 = arith.addf %add3A_15, %slice3A : vector<256x256xf32>
    %max3A_62 = arith.constant 0.000000e+00 : f32
    %max3A_63 = vector.broadcast %max3A_62 : f32 to vector<256x256xf32>
    %max3A_64 = arith.maximumf %add3A_61, %max3A_63 : vector<256x256xf32>
    %convert_element_type3A_65 = arith.truncf %max3A_64 : vector<256x256xf32> to vector<256x256xbf16>
    %slice3A_66 = vector.extract_strided_slice %dot_general3A_56 {offsets = [256, 0], sizes = [256, 256], strides = [1, 1]} : vector<4096x256xf32> to vector<256x256xf32>
    %add3A_67 = arith.addf %add3A_15, %slice3A_66 : vector<256x256xf32>
    %max3A_68 = arith.constant 0.000000e+00 : f32
    %max3A_69 = vector.broadcast %max3A_68 : f32 to vector<256x256xf32>
    %max3A_70 = arith.maximumf %add3A_67, %max3A_69 : vector<256x256xf32>
    %convert_element_type3A_71 = arith.truncf %max3A_70 : vector<256x256xf32> to vector<256x256xbf16>
    %slice3A_72 = vector.extract_strided_slice %dot_general3A_56 {offsets = [512, 0], sizes = [256, 256], strides = [1, 1]} : vector<4096x256xf32> to vector<256x256xf32>
    %add3A_73 = arith.addf %add3A_15, %slice3A_72 : vector<256x256xf32>
    %max3A_74 = arith.constant 0.000000e+00 : f32
    %max3A_75 = vector.broadcast %max3A_74 : f32 to vector<256x256xf32>
    %max3A_76 = arith.maximumf %add3A_73, %max3A_75 : vector<256x256xf32>
    %convert_element_type3A_77 = arith.truncf %max3A_76 : vector<256x256xf32> to vector<256x256xbf16>
    %slice3A_78 = vector.extract_strided_slice %dot_general3A_56 {offsets = [768, 0], sizes = [256, 256], strides = [1, 1]} : vector<4096x256xf32> to vector<256x256xf32>
    %add3A_79 = arith.addf %add3A_15, %slice3A_78 : vector<256x256xf32>
    %max3A_80 = arith.constant 0.000000e+00 : f32
    %max3A_81 = vector.broadcast %max3A_80 : f32 to vector<256x256xf32>
    %max3A_82 = arith.maximumf %add3A_79, %max3A_81 : vector<256x256xf32>
    %convert_element_type3A_83 = arith.truncf %max3A_82 : vector<256x256xf32> to vector<256x256xbf16>
    %slice3A_84 = vector.extract_strided_slice %dot_general3A_56 {offsets = [1024, 0], sizes = [256, 256], strides = [1, 1]} : vector<4096x256xf32> to vector<256x256xf32>
    %add3A_85 = arith.addf %add3A_15, %slice3A_84 : vector<256x256xf32>
    %max3A_86 = arith.constant 0.000000e+00 : f32
    %max3A_87 = vector.broadcast %max3A_86 : f32 to vector<256x256xf32>
    %max3A_88 = arith.maximumf %add3A_85, %max3A_87 : vector<256x256xf32>
    %convert_element_type3A_89 = arith.truncf %max3A_88 : vector<256x256xf32> to vector<256x256xbf16>
    %slice3A_90 = vector.extract_strided_slice %dot_general3A_56 {offsets = [1280, 0], sizes = [256, 256], strides = [1, 1]} : vector<4096x256xf32> to vector<256x256xf32>
    %add3A_91 = arith.addf %add3A_15, %slice3A_90 : vector<256x256xf32>
    %max3A_92 = arith.constant 0.000000e+00 : f32
    %max3A_93 = vector.broadcast %max3A_92 : f32 to vector<256x256xf32>
    %max3A_94 = arith.maximumf %add3A_91, %max3A_93 : vector<256x256xf32>
    %convert_element_type3A_95 = arith.truncf %max3A_94 : vector<256x256xf32> to vector<256x256xbf16>
    %slice3A_96 = vector.extract_strided_slice %dot_general3A_56 {offsets = [1536, 0], sizes = [256, 256], strides = [1, 1]} : vector<4096x256xf32> to vector<256x256xf32>
    %add3A_97 = arith.addf %add3A_15, %slice3A_96 : vector<256x256xf32>
    %max3A_98 = arith.constant 0.000000e+00 : f32
    %max3A_99 = vector.broadcast %max3A_98 : f32 to vector<256x256xf32>
    %max3A_100 = arith.maximumf %add3A_97, %max3A_99 : vector<256x256xf32>
    %convert_element_type3A_101 = arith.truncf %max3A_100 : vector<256x256xf32> to vector<256x256xbf16>
    %slice3A_102 = vector.extract_strided_slice %dot_general3A_56 {offsets = [1792, 0], sizes = [256, 256], strides = [1, 1]} : vector<4096x256xf32> to vector<256x256xf32>
    %add3A_103 = arith.addf %add3A_15, %slice3A_102 : vector<256x256xf32>
    %max3A_104 = arith.constant 0.000000e+00 : f32
    %max3A_105 = vector.broadcast %max3A_104 : f32 to vector<256x256xf32>
    %max3A_106 = arith.maximumf %add3A_103, %max3A_105 : vector<256x256xf32>
    %convert_element_type3A_107 = arith.truncf %max3A_106 : vector<256x256xf32> to vector<256x256xbf16>
    %slice3A_108 = vector.extract_strided_slice %dot_general3A_56 {offsets = [2048, 0], sizes = [256, 256], strides = [1, 1]} : vector<4096x256xf32> to vector<256x256xf32>
    %add3A_109 = arith.addf %add3A_15, %slice3A_108 : vector<256x256xf32>
    %max3A_110 = arith.constant 0.000000e+00 : f32
    %max3A_111 = vector.broadcast %max3A_110 : f32 to vector<256x256xf32>
    %max3A_112 = arith.maximumf %add3A_109, %max3A_111 : vector<256x256xf32>
    %convert_element_type3A_113 = arith.truncf %max3A_112 : vector<256x256xf32> to vector<256x256xbf16>
    %slice3A_114 = vector.extract_strided_slice %dot_general3A_56 {offsets = [2304, 0], sizes = [256, 256], strides = [1, 1]} : vector<4096x256xf32> to vector<256x256xf32>
    %add3A_115 = arith.addf %add3A_15, %slice3A_114 : vector<256x256xf32>
    %max3A_116 = arith.constant 0.000000e+00 : f32
    %max3A_117 = vector.broadcast %max3A_116 : f32 to vector<256x256xf32>
    %max3A_118 = arith.maximumf %add3A_115, %max3A_117 : vector<256x256xf32>
    %convert_element_type3A_119 = arith.truncf %max3A_118 : vector<256x256xf32> to vector<256x256xbf16>
    %slice3A_120 = vector.extract_strided_slice %dot_general3A_56 {offsets = [2560, 0], sizes = [256, 256], strides = [1, 1]} : vector<4096x256xf32> to vector<256x256xf32>
    %add3A_121 = arith.addf %add3A_15, %slice3A_120 : vector<256x256xf32>
    %max3A_122 = arith.constant 0.000000e+00 : f32
    %max3A_123 = vector.broadcast %max3A_122 : f32 to vector<256x256xf32>
    %max3A_124 = arith.maximumf %add3A_121, %max3A_123 : vector<256x256xf32>
    %convert_element_type3A_125 = arith.truncf %max3A_124 : vector<256x256xf32> to vector<256x256xbf16>
    %slice3A_126 = vector.extract_strided_slice %dot_general3A_56 {offsets = [2816, 0], sizes = [256, 256], strides = [1, 1]} : vector<4096x256xf32> to vector<256x256xf32>
    %add3A_127 = arith.addf %add3A_15, %slice3A_126 : vector<256x256xf32>
    %max3A_128 = arith.constant 0.000000e+00 : f32
    %max3A_129 = vector.broadcast %max3A_128 : f32 to vector<256x256xf32>
    %max3A_130 = arith.maximumf %add3A_127, %max3A_129 : vector<256x256xf32>
    %convert_element_type3A_131 = arith.truncf %max3A_130 : vector<256x256xf32> to vector<256x256xbf16>
    %slice3A_132 = vector.extract_strided_slice %dot_general3A_56 {offsets = [3072, 0], sizes = [256, 256], strides = [1, 1]} : vector<4096x256xf32> to vector<256x256xf32>
    %add3A_133 = arith.addf %add3A_15, %slice3A_132 : vector<256x256xf32>
    %max3A_134 = arith.constant 0.000000e+00 : f32
    %max3A_135 = vector.broadcast %max3A_134 : f32 to vector<256x256xf32>
    %max3A_136 = arith.maximumf %add3A_133, %max3A_135 : vector<256x256xf32>
    %convert_element_type3A_137 = arith.truncf %max3A_136 : vector<256x256xf32> to vector<256x256xbf16>
    %slice3A_138 = vector.extract_strided_slice %dot_general3A_56 {offsets = [3328, 0], sizes = [256, 256], strides = [1, 1]} : vector<4096x256xf32> to vector<256x256xf32>
    %add3A_139 = arith.addf %add3A_15, %slice3A_138 : vector<256x256xf32>
    %max3A_140 = arith.constant 0.000000e+00 : f32
    %max3A_141 = vector.broadcast %max3A_140 : f32 to vector<256x256xf32>
    %max3A_142 = arith.maximumf %add3A_139, %max3A_141 : vector<256x256xf32>
    %convert_element_type3A_143 = arith.truncf %max3A_142 : vector<256x256xf32> to vector<256x256xbf16>
    %slice3A_144 = vector.extract_strided_slice %dot_general3A_56 {offsets = [3584, 0], sizes = [256, 256], strides = [1, 1]} : vector<4096x256xf32> to vector<256x256xf32>
    %add3A_145 = arith.addf %add3A_15, %slice3A_144 : vector<256x256xf32>
    %max3A_146 = arith.constant 0.000000e+00 : f32
    %max3A_147 = vector.broadcast %max3A_146 : f32 to vector<256x256xf32>
    %max3A_148 = arith.maximumf %add3A_145, %max3A_147 : vector<256x256xf32>
    %convert_element_type3A_149 = arith.truncf %max3A_148 : vector<256x256xf32> to vector<256x256xbf16>
    %slice3A_150 = vector.extract_strided_slice %dot_general3A_56 {offsets = [3840, 0], sizes = [256, 256], strides = [1, 1]} : vector<4096x256xf32> to vector<256x256xf32>
    %add3A_151 = arith.addf %add3A_15, %slice3A_150 : vector<256x256xf32>
    %max3A_152 = arith.constant 0.000000e+00 : f32
    %max3A_153 = vector.broadcast %max3A_152 : f32 to vector<256x256xf32>
    %max3A_154 = arith.maximumf %add3A_151, %max3A_153 : vector<256x256xf32>
    %convert_element_type3A_155 = arith.truncf %max3A_154 : vector<256x256xf32> to vector<256x256xbf16>
    %concatenate3A_156 = tpu.concatenate %convert_element_type3A_65, %convert_element_type3A_71, %convert_element_type3A_77, %convert_element_type3A_83, %convert_element_type3A_89, %convert_element_type3A_95, %convert_element_type3A_101, %convert_element_type3A_107, %convert_element_type3A_113, %convert_element_type3A_119, %convert_element_type3A_125, %convert_element_type3A_131, %convert_element_type3A_137, %convert_element_type3A_143, %convert_element_type3A_149, %convert_element_type3A_155 in 0 : vector<256x256xbf16>, vector<256x256xbf16>, vector<256x256xbf16>, vector<256x256xbf16>, vector<256x256xbf16>, vector<256x256xbf16>, vector<256x256xbf16>, vector<256x256xbf16>, vector<256x256xbf16>, vector<256x256xbf16>, vector<256x256xbf16>, vector<256x256xbf16>, vector<256x256xbf16>, vector<256x256xbf16>, vector<256x256xbf16>, vector<256x256xbf16> -> vector<4096x256xbf16>
    %dot_general3A_157 = arith.constant dense<0.000000e+00> : vector<4096x256xf32>
    %dot_general3A_158 = tpu.matmul %concatenate3A_156, %get3A_23, %dot_general3A_157 {dimension_numbers = #tpu.dot_dimension_numbers<[1], [0], [0], [1], [0, 0, 1, 1], [], []>, transpose_lhs_hint = false} : vector<4096x256xbf16>, vector<256x256xbf16>, vector<4096x256xf32> -> vector<4096x256xf32>
    %add3A_159 = vector.broadcast %get3A_26 : vector<1x256xf32> to vector<4096x256xf32>
    %add3A_160 = arith.addf %dot_general3A_158, %add3A_159 : vector<4096x256xf32>
    %exp3A = math.exp %add3A_160 : vector<4096x256xf32>
    %reduce_sum3A = arith.constant dense<0.000000e+00> : vector<4096xf32>
    %reduce_sum3A_161 = vector.multi_reduction <add>, %exp3A, %reduce_sum3A [1] : vector<4096x256xf32> to vector<4096xf32>
    %broadcast_in_dim3A = vector.shape_cast %reduce_sum3A_161 : vector<4096xf32> to vector<4096x1xf32>
    %div3A = arith.constant 1.000000e+00 : f32
    %div3A_162 = vector.broadcast %div3A : f32 to vector<4096x1xf32>
    %div3A_163 = arith.divf %div3A_162, %broadcast_in_dim3A : vector<4096x1xf32>
    %broadcast_in_dim3A_164 = arith.constant 0.000000e+00 : f32
    %broadcast_in_dim3A_165 = vector.broadcast %broadcast_in_dim3A_164 : f32 to vector<256x256xf32>
    %slice3A_166 = vector.extract_strided_slice %exp3A {offsets = [0, 0], sizes = [256, 256], strides = [1, 1]} : vector<4096x256xf32> to vector<256x256xf32>
    %slice3A_167 = vector.extract_strided_slice %div3A_163 {offsets = [0, 0], sizes = [256, 1], strides = [1, 1]} : vector<4096x1xf32> to vector<256x1xf32>
    %mul3A = vector.broadcast %slice3A_167 : vector<256x1xf32> to vector<256x256xf32>
    %mul3A_168 = arith.mulf %slice3A_166, %mul3A : vector<256x256xf32>
    %slice3A_169 = vector.extract_strided_slice %add3A_60 {offsets = [0, 0], sizes = [256, 256], strides = [1, 1]} : vector<4096x256xf32> to vector<256x256xf32>
    %mul3A_170 = arith.mulf %mul3A_168, %slice3A_169 : vector<256x256xf32>
    %add3A_171 = arith.addf %broadcast_in_dim3A_165, %mul3A_170 : vector<256x256xf32>
    %slice3A_172 = vector.extract_strided_slice %exp3A {offsets = [256, 0], sizes = [256, 256], strides = [1, 1]} : vector<4096x256xf32> to vector<256x256xf32>
    %slice3A_173 = vector.extract_strided_slice %div3A_163 {offsets = [256, 0], sizes = [256, 1], strides = [1, 1]} : vector<4096x1xf32> to vector<256x1xf32>
    %mul3A_174 = vector.broadcast %slice3A_173 : vector<256x1xf32> to vector<256x256xf32>
    %mul3A_175 = arith.mulf %slice3A_172, %mul3A_174 : vector<256x256xf32>
    %slice3A_176 = vector.extract_strided_slice %add3A_60 {offsets = [256, 0], sizes = [256, 256], strides = [1, 1]} : vector<4096x256xf32> to vector<256x256xf32>
    %mul3A_177 = arith.mulf %mul3A_175, %slice3A_176 : vector<256x256xf32>
    %add3A_178 = arith.addf %add3A_171, %mul3A_177 : vector<256x256xf32>
    %slice3A_179 = vector.extract_strided_slice %exp3A {offsets = [512, 0], sizes = [256, 256], strides = [1, 1]} : vector<4096x256xf32> to vector<256x256xf32>
    %slice3A_180 = vector.extract_strided_slice %div3A_163 {offsets = [512, 0], sizes = [256, 1], strides = [1, 1]} : vector<4096x1xf32> to vector<256x1xf32>
    %mul3A_181 = vector.broadcast %slice3A_180 : vector<256x1xf32> to vector<256x256xf32>
    %mul3A_182 = arith.mulf %slice3A_179, %mul3A_181 : vector<256x256xf32>
    %slice3A_183 = vector.extract_strided_slice %add3A_60 {offsets = [512, 0], sizes = [256, 256], strides = [1, 1]} : vector<4096x256xf32> to vector<256x256xf32>
    %mul3A_184 = arith.mulf %mul3A_182, %slice3A_183 : vector<256x256xf32>
    %add3A_185 = arith.addf %add3A_178, %mul3A_184 : vector<256x256xf32>
    %slice3A_186 = vector.extract_strided_slice %exp3A {offsets = [768, 0], sizes = [256, 256], strides = [1, 1]} : vector<4096x256xf32> to vector<256x256xf32>
    %slice3A_187 = vector.extract_strided_slice %div3A_163 {offsets = [768, 0], sizes = [256, 1], strides = [1, 1]} : vector<4096x1xf32> to vector<256x1xf32>
    %mul3A_188 = vector.broadcast %slice3A_187 : vector<256x1xf32> to vector<256x256xf32>
    %mul3A_189 = arith.mulf %slice3A_186, %mul3A_188 : vector<256x256xf32>
    %slice3A_190 = vector.extract_strided_slice %add3A_60 {offsets = [768, 0], sizes = [256, 256], strides = [1, 1]} : vector<4096x256xf32> to vector<256x256xf32>
    %mul3A_191 = arith.mulf %mul3A_189, %slice3A_190 : vector<256x256xf32>
    %add3A_192 = arith.addf %add3A_185, %mul3A_191 : vector<256x256xf32>
    %slice3A_193 = vector.extract_strided_slice %exp3A {offsets = [1024, 0], sizes = [256, 256], strides = [1, 1]} : vector<4096x256xf32> to vector<256x256xf32>
    %slice3A_194 = vector.extract_strided_slice %div3A_163 {offsets = [1024, 0], sizes = [256, 1], strides = [1, 1]} : vector<4096x1xf32> to vector<256x1xf32>
    %mul3A_195 = vector.broadcast %slice3A_194 : vector<256x1xf32> to vector<256x256xf32>
    %mul3A_196 = arith.mulf %slice3A_193, %mul3A_195 : vector<256x256xf32>
    %slice3A_197 = vector.extract_strided_slice %add3A_60 {offsets = [1024, 0], sizes = [256, 256], strides = [1, 1]} : vector<4096x256xf32> to vector<256x256xf32>
    %mul3A_198 = arith.mulf %mul3A_196, %slice3A_197 : vector<256x256xf32>
    %add3A_199 = arith.addf %add3A_192, %mul3A_198 : vector<256x256xf32>
    %slice3A_200 = vector.extract_strided_slice %exp3A {offsets = [1280, 0], sizes = [256, 256], strides = [1, 1]} : vector<4096x256xf32> to vector<256x256xf32>
    %slice3A_201 = vector.extract_strided_slice %div3A_163 {offsets = [1280, 0], sizes = [256, 1], strides = [1, 1]} : vector<4096x1xf32> to vector<256x1xf32>
    %mul3A_202 = vector.broadcast %slice3A_201 : vector<256x1xf32> to vector<256x256xf32>
    %mul3A_203 = arith.mulf %slice3A_200, %mul3A_202 : vector<256x256xf32>
    %slice3A_204 = vector.extract_strided_slice %add3A_60 {offsets = [1280, 0], sizes = [256, 256], strides = [1, 1]} : vector<4096x256xf32> to vector<256x256xf32>
    %mul3A_205 = arith.mulf %mul3A_203, %slice3A_204 : vector<256x256xf32>
    %add3A_206 = arith.addf %add3A_199, %mul3A_205 : vector<256x256xf32>
    %slice3A_207 = vector.extract_strided_slice %exp3A {offsets = [1536, 0], sizes = [256, 256], strides = [1, 1]} : vector<4096x256xf32> to vector<256x256xf32>
    %slice3A_208 = vector.extract_strided_slice %div3A_163 {offsets = [1536, 0], sizes = [256, 1], strides = [1, 1]} : vector<4096x1xf32> to vector<256x1xf32>
    %mul3A_209 = vector.broadcast %slice3A_208 : vector<256x1xf32> to vector<256x256xf32>
    %mul3A_210 = arith.mulf %slice3A_207, %mul3A_209 : vector<256x256xf32>
    %slice3A_211 = vector.extract_strided_slice %add3A_60 {offsets = [1536, 0], sizes = [256, 256], strides = [1, 1]} : vector<4096x256xf32> to vector<256x256xf32>
    %mul3A_212 = arith.mulf %mul3A_210, %slice3A_211 : vector<256x256xf32>
    %add3A_213 = arith.addf %add3A_206, %mul3A_212 : vector<256x256xf32>
    %slice3A_214 = vector.extract_strided_slice %exp3A {offsets = [1792, 0], sizes = [256, 256], strides = [1, 1]} : vector<4096x256xf32> to vector<256x256xf32>
    %slice3A_215 = vector.extract_strided_slice %div3A_163 {offsets = [1792, 0], sizes = [256, 1], strides = [1, 1]} : vector<4096x1xf32> to vector<256x1xf32>
    %mul3A_216 = vector.broadcast %slice3A_215 : vector<256x1xf32> to vector<256x256xf32>
    %mul3A_217 = arith.mulf %slice3A_214, %mul3A_216 : vector<256x256xf32>
    %slice3A_218 = vector.extract_strided_slice %add3A_60 {offsets = [1792, 0], sizes = [256, 256], strides = [1, 1]} : vector<4096x256xf32> to vector<256x256xf32>
    %mul3A_219 = arith.mulf %mul3A_217, %slice3A_218 : vector<256x256xf32>
    %add3A_220 = arith.addf %add3A_213, %mul3A_219 : vector<256x256xf32>
    %slice3A_221 = vector.extract_strided_slice %exp3A {offsets = [2048, 0], sizes = [256, 256], strides = [1, 1]} : vector<4096x256xf32> to vector<256x256xf32>
    %slice3A_222 = vector.extract_strided_slice %div3A_163 {offsets = [2048, 0], sizes = [256, 1], strides = [1, 1]} : vector<4096x1xf32> to vector<256x1xf32>
    %mul3A_223 = vector.broadcast %slice3A_222 : vector<256x1xf32> to vector<256x256xf32>
    %mul3A_224 = arith.mulf %slice3A_221, %mul3A_223 : vector<256x256xf32>
    %slice3A_225 = vector.extract_strided_slice %add3A_60 {offsets = [2048, 0], sizes = [256, 256], strides = [1, 1]} : vector<4096x256xf32> to vector<256x256xf32>
    %mul3A_226 = arith.mulf %mul3A_224, %slice3A_225 : vector<256x256xf32>
    %add3A_227 = arith.addf %add3A_220, %mul3A_226 : vector<256x256xf32>
    %slice3A_228 = vector.extract_strided_slice %exp3A {offsets = [2304, 0], sizes = [256, 256], strides = [1, 1]} : vector<4096x256xf32> to vector<256x256xf32>
    %slice3A_229 = vector.extract_strided_slice %div3A_163 {offsets = [2304, 0], sizes = [256, 1], strides = [1, 1]} : vector<4096x1xf32> to vector<256x1xf32>
    %mul3A_230 = vector.broadcast %slice3A_229 : vector<256x1xf32> to vector<256x256xf32>
    %mul3A_231 = arith.mulf %slice3A_228, %mul3A_230 : vector<256x256xf32>
    %slice3A_232 = vector.extract_strided_slice %add3A_60 {offsets = [2304, 0], sizes = [256, 256], strides = [1, 1]} : vector<4096x256xf32> to vector<256x256xf32>
    %mul3A_233 = arith.mulf %mul3A_231, %slice3A_232 : vector<256x256xf32>
    %add3A_234 = arith.addf %add3A_227, %mul3A_233 : vector<256x256xf32>
    %slice3A_235 = vector.extract_strided_slice %exp3A {offsets = [2560, 0], sizes = [256, 256], strides = [1, 1]} : vector<4096x256xf32> to vector<256x256xf32>
    %slice3A_236 = vector.extract_strided_slice %div3A_163 {offsets = [2560, 0], sizes = [256, 1], strides = [1, 1]} : vector<4096x1xf32> to vector<256x1xf32>
    %mul3A_237 = vector.broadcast %slice3A_236 : vector<256x1xf32> to vector<256x256xf32>
    %mul3A_238 = arith.mulf %slice3A_235, %mul3A_237 : vector<256x256xf32>
    %slice3A_239 = vector.extract_strided_slice %add3A_60 {offsets = [2560, 0], sizes = [256, 256], strides = [1, 1]} : vector<4096x256xf32> to vector<256x256xf32>
    %mul3A_240 = arith.mulf %mul3A_238, %slice3A_239 : vector<256x256xf32>
    %add3A_241 = arith.addf %add3A_234, %mul3A_240 : vector<256x256xf32>
    %slice3A_242 = vector.extract_strided_slice %exp3A {offsets = [2816, 0], sizes = [256, 256], strides = [1, 1]} : vector<4096x256xf32> to vector<256x256xf32>
    %slice3A_243 = vector.extract_strided_slice %div3A_163 {offsets = [2816, 0], sizes = [256, 1], strides = [1, 1]} : vector<4096x1xf32> to vector<256x1xf32>
    %mul3A_244 = vector.broadcast %slice3A_243 : vector<256x1xf32> to vector<256x256xf32>
    %mul3A_245 = arith.mulf %slice3A_242, %mul3A_244 : vector<256x256xf32>
    %slice3A_246 = vector.extract_strided_slice %add3A_60 {offsets = [2816, 0], sizes = [256, 256], strides = [1, 1]} : vector<4096x256xf32> to vector<256x256xf32>
    %mul3A_247 = arith.mulf %mul3A_245, %slice3A_246 : vector<256x256xf32>
    %add3A_248 = arith.addf %add3A_241, %mul3A_247 : vector<256x256xf32>
    %slice3A_249 = vector.extract_strided_slice %exp3A {offsets = [3072, 0], sizes = [256, 256], strides = [1, 1]} : vector<4096x256xf32> to vector<256x256xf32>
    %slice3A_250 = vector.extract_strided_slice %div3A_163 {offsets = [3072, 0], sizes = [256, 1], strides = [1, 1]} : vector<4096x1xf32> to vector<256x1xf32>
    %mul3A_251 = vector.broadcast %slice3A_250 : vector<256x1xf32> to vector<256x256xf32>
    %mul3A_252 = arith.mulf %slice3A_249, %mul3A_251 : vector<256x256xf32>
    %slice3A_253 = vector.extract_strided_slice %add3A_60 {offsets = [3072, 0], sizes = [256, 256], strides = [1, 1]} : vector<4096x256xf32> to vector<256x256xf32>
    %mul3A_254 = arith.mulf %mul3A_252, %slice3A_253 : vector<256x256xf32>
    %add3A_255 = arith.addf %add3A_248, %mul3A_254 : vector<256x256xf32>
    %slice3A_256 = vector.extract_strided_slice %exp3A {offsets = [3328, 0], sizes = [256, 256], strides = [1, 1]} : vector<4096x256xf32> to vector<256x256xf32>
    %slice3A_257 = vector.extract_strided_slice %div3A_163 {offsets = [3328, 0], sizes = [256, 1], strides = [1, 1]} : vector<4096x1xf32> to vector<256x1xf32>
    %mul3A_258 = vector.broadcast %slice3A_257 : vector<256x1xf32> to vector<256x256xf32>
    %mul3A_259 = arith.mulf %slice3A_256, %mul3A_258 : vector<256x256xf32>
    %slice3A_260 = vector.extract_strided_slice %add3A_60 {offsets = [3328, 0], sizes = [256, 256], strides = [1, 1]} : vector<4096x256xf32> to vector<256x256xf32>
    %mul3A_261 = arith.mulf %mul3A_259, %slice3A_260 : vector<256x256xf32>
    %add3A_262 = arith.addf %add3A_255, %mul3A_261 : vector<256x256xf32>
    %slice3A_263 = vector.extract_strided_slice %exp3A {offsets = [3584, 0], sizes = [256, 256], strides = [1, 1]} : vector<4096x256xf32> to vector<256x256xf32>
    %slice3A_264 = vector.extract_strided_slice %div3A_163 {offsets = [3584, 0], sizes = [256, 1], strides = [1, 1]} : vector<4096x1xf32> to vector<256x1xf32>
    %mul3A_265 = vector.broadcast %slice3A_264 : vector<256x1xf32> to vector<256x256xf32>
    %mul3A_266 = arith.mulf %slice3A_263, %mul3A_265 : vector<256x256xf32>
    %slice3A_267 = vector.extract_strided_slice %add3A_60 {offsets = [3584, 0], sizes = [256, 256], strides = [1, 1]} : vector<4096x256xf32> to vector<256x256xf32>
    %mul3A_268 = arith.mulf %mul3A_266, %slice3A_267 : vector<256x256xf32>
    %add3A_269 = arith.addf %add3A_262, %mul3A_268 : vector<256x256xf32>
    %slice3A_270 = vector.extract_strided_slice %exp3A {offsets = [3840, 0], sizes = [256, 256], strides = [1, 1]} : vector<4096x256xf32> to vector<256x256xf32>
    %slice3A_271 = vector.extract_strided_slice %div3A_163 {offsets = [3840, 0], sizes = [256, 1], strides = [1, 1]} : vector<4096x1xf32> to vector<256x1xf32>
    %mul3A_272 = vector.broadcast %slice3A_271 : vector<256x1xf32> to vector<256x256xf32>
    %mul3A_273 = arith.mulf %slice3A_270, %mul3A_272 : vector<256x256xf32>
    %slice3A_274 = vector.extract_strided_slice %add3A_60 {offsets = [3840, 0], sizes = [256, 256], strides = [1, 1]} : vector<4096x256xf32> to vector<256x256xf32>
    %mul3A_275 = arith.mulf %mul3A_273, %slice3A_274 : vector<256x256xf32>
    %add3A_276 = arith.addf %add3A_269, %mul3A_275 : vector<256x256xf32>
    %swap3A = arith.constant 0 : index
    %swap3A_277 = arith.constant 0 : index
    %swap3A_278 = arith.constant 0 : index
    %swap3A_279 = vector.load %arg16[%swap3A, %swap3A_277, %swap3A_278] : memref<1x256x256xf32, #tpu.memory_space<vmem>>, vector<1x256x256xf32>
    %swap3A_280 = vector.shape_cast %swap3A_279 : vector<1x256x256xf32> to vector<256x256xf32>
    %swap3A_281 = vector.shape_cast %add3A_276 : vector<256x256xf32> to vector<1x256x256xf32>
    tpu.vector_store %arg16[%swap3A, %swap3A_277, %swap3A_278], %swap3A_281 {strides = array<i32>} : memref<1x256x256xf32, #tpu.memory_space<vmem>>, vector<1x256x256xf32>,
    return
  }
  func.func @transform_0(%arg0: i32, %arg1: i32) -> (i32, i32, i32) {
    %c0_i32 = arith.constant 0 : i32
    %c0_i32_0 = arith.constant 0 : i32
    return %arg0, %arg1, %c0_i32 : i32, i32, i32
  }
  func.func @transform_1(%arg0: i32, %arg1: i32) -> (i32, i32, i32) {
    %c0_i32 = arith.constant 0 : i32
    %c0_i32_0 = arith.constant 0 : i32
    return %arg0, %arg1, %c0_i32 : i32, i32, i32
  }
  func.func @transform_2(%arg0: i32, %arg1: i32) -> (i32, i32, i32, i32) {
    %c0_i32 = arith.constant 0 : i32
    %c0_i32_0 = arith.constant 0 : i32
    %c0_i32_1 = arith.constant 0 : i32
    return %arg0, %c0_i32, %arg1, %c0_i32_0 : i32, i32, i32, i32
  }
  func.func @transform_3(%arg0: i32, %arg1: i32) -> (i32, i32) {
    %c0_i32 = arith.constant 0 : i32
    %c0_i32_0 = arith.constant 0 : i32
    %c0_i32_1 = arith.constant 0 : i32
    return %c0_i32, %c0_i32_0 : i32, i32
  }
  func.func @transform_4(%arg0: i32, %arg1: i32) -> (i32, i32) {
    %c0_i32 = arith.constant 0 : i32
    %c0_i32_0 = arith.constant 0 : i32
    %c0_i32_1 = arith.constant 0 : i32
    return %c0_i32, %c0_i32_0 : i32, i32
  }
  func.func @transform_5(%arg0: i32, %arg1: i32) -> (i32, i32) {
    %c0_i32 = arith.constant 0 : i32
    %c0_i32_0 = arith.constant 0 : i32
    %c0_i32_1 = arith.constant 0 : i32
    return %c0_i32, %c0_i32_0 : i32, i32
  }
  func.func @transform_6(%arg0: i32, %arg1: i32) -> (i32, i32) {
    %c0_i32 = arith.constant 0 : i32
    %c0_i32_0 = arith.constant 0 : i32
    %c0_i32_1 = arith.constant 0 : i32
    return %c0_i32, %c0_i32_0 : i32, i32
  }
  func.func @transform_7(%arg0: i32, %arg1: i32) -> (i32, i32) {
    %c0_i32 = arith.constant 0 : i32
    %c0_i32_0 = arith.constant 0 : i32
    %c0_i32_1 = arith.constant 0 : i32
    return %c0_i32, %c0_i32_0 : i32, i32
  }
  func.func @transform_8(%arg0: i32, %arg1: i32) -> (i32, i32) {
    %c0_i32 = arith.constant 0 : i32
    %c0_i32_0 = arith.constant 0 : i32
    %c0_i32_1 = arith.constant 0 : i32
    return %c0_i32, %c0_i32_0 : i32, i32
  }
  func.func @transform_9(%arg0: i32, %arg1: i32) -> (i32, i32) {
    %c0_i32 = arith.constant 0 : i32
    %c0_i32_0 = arith.constant 0 : i32
    %c0_i32_1 = arith.constant 0 : i32
    return %c0_i32, %c0_i32_0 : i32, i32
  }
  func.func @transform_10(%arg0: i32, %arg1: i32) -> (i32, i32) {
    %c0_i32 = arith.constant 0 : i32
    %c0_i32_0 = arith.constant 0 : i32
    %c0_i32_1 = arith.constant 0 : i32
    return %c0_i32, %c0_i32_0 : i32, i32
  }
  func.func @transform_11(%arg0: i32, %arg1: i32) -> (i32, i32) {
    %c0_i32 = arith.constant 0 : i32
    %c0_i32_0 = arith.constant 0 : i32
    %c0_i32_1 = arith.constant 0 : i32
    return %c0_i32, %c0_i32_0 : i32, i32
  }
  func.func @transform_12(%arg0: i32, %arg1: i32) -> (i32, i32) {
    %c0_i32 = arith.constant 0 : i32
    %c0_i32_0 = arith.constant 0 : i32
    %c0_i32_1 = arith.constant 0 : i32
    return %c0_i32, %c0_i32_0 : i32, i32
  }
  func.func @transform_13(%arg0: i32, %arg1: i32) -> (i32, i32) {
    %c0_i32 = arith.constant 0 : i32
    %c0_i32_0 = arith.constant 0 : i32
    %c0_i32_1 = arith.constant 0 : i32
    return %c0_i32, %c0_i32_0 : i32, i32
  }
  func.func @transform_14(%arg0: i32, %arg1: i32) -> (i32, i32, i32) {
    %c0_i32 = arith.constant 0 : i32
    %c0_i32_0 = arith.constant 0 : i32
    return %arg0, %arg1, %c0_i32 : i32, i32, i32
  }
}

</mosaic_0001>

<sc_bundles>
// kernel: kernel.5.cloned.1.call-start
scs
__scs_entry_jumppad:
0x0: {  	(pc) =	sbr.rel $0x88, $3  }
0x1: {  	(tag) =	ssettag $0x0;
	lr =	simm.s32 $0x1  }
0x2: {  	[smem:$0x3F91] =	sst lr;
	_ =	strace $0xD0000000  }
0x3: {  	_ = 	snop  }
0x4: {  	_ = 	snop  }
0x5: {  	_ = 	snop  }
0x6: {  	_ = 	snop  }
0x7: {  	_ = 	snop  }
__scs_overlays_trampoline_lowered:
0x8: {  	[smem:$0x3FA0] =	sst s0  }
0x9: {  	[smem:$0x3FA1] =	sst s1  }
0xa: {  	[smem:$0x3FA2] =	sst s2  }
0xb: {  	[smem:$0x3FA3] =	sst s3  }
0xc: {  	[smem:$0x3FA4] =	sst s4  }
0xd: {  	[smem:$0x3FA5] =	sst s5  }
0xe: {  	[smem:$0x3FA6] =	sst s6  }
0xf: {  	[smem:$0x3FA7] =	sst s7  }
0x10: {  	[smem:$0x3FA8] =	sst s8  }
0x11: {  	[smem:$0x3FA9] =	sst s9;
	s0 =	simm.s32 @!p0 $0x0  }
0x12: {  	s1 =	sld [smem:$0x3F8F];
	s0 =	simm.s32 @p0 $0x1  }
0x13: {  	[smem:$0x3FAA] =	sst s0;
	s0 =	simm.s32 @!p1 $0x0  }
0x14: {  	s2 =	sld [smem:$0x3F8E];
	s0 =	simm.s32 @p1 $0x1  }
0x15: {  	[smem:$0x3FAB] =	sst s0;
	s0 =	simm.s32 @!p2 $0x0  }
0x16: {  	s3 =	sld [smem:$0x3FDB];
	s0 =	simm.s32 @p2 $0x1  }
0x17: {  	s4 =	simm.s32 $0x1BF5;
	[smem:$0x3FAD] =	sst s0  }
0x18: {  	s0 =	sld [smem:$0x3F90];
	_ =	swait.ge [sflag:s4], $0x0  }
0x19: {  	s7 =	sld [smem:$0x3F91]  }
0x1a: {  	s8 =	sadd.s32 $0xFFFFE003, lr  }
0x1b: {  	s9 =	sadd.s32 $0xFFFFFEF7, lr;
	s5 =	simm.s32 $0xFFFFFFFF;
	p2 =	slt.u32 s8, $0xFFFFF086  }
0x1c: {  	p1 =	slt.u32 s9, $0xF7A;
	s5 =	simm.s32 @!p2 $0x0  }
0x1d: {  	s5 =	simm.s32 @p1 $0x1;
	p0 =	seq.s32 s7, s2  }
0x1e: {  	s7 =	smul.u32 @!p0 $0xF7A, s2;
	p2 =	seq.s32 @!p0 s5, $0x0  }
0x1f: {  	s9 =	smul.u32 $0xF7A, s1;
	s8 =	simm.s32 @!p0 $0x1BF5;
	p2 =	por !p2, p0  }
0x20: {  	[sflag:s8] =	ssyncset.s32 @!p0 $0xFFFFF086;
	s6 =	sadd.s32 @!p0 s3, s7;
	s7 =	simm.s32 @!p0 $0x108  }
0x21: {  	s3 =	sadd.s32 s3, s9;
	s6 =	sadd.s32 @!p0 $0x88, s6;
	s7 =	simm.s32 @p2 $0x1082  }
0x22: {  	[simem:s7], [sflag:s8] =	dma.local @!p0 [hbm:s6], $0xF7A  }
0x23: {  	s9 =	sor.u32 $0xD0000000, s2;
	s6 =	simm.s32 $0x108;
	_ =	swait.ge @!p0 [sflag:s8], $0x0  }
0x24: {  	s3 =	sadd.s32 $0x88, s3;
	s6 =	simm.s32 @!p1 $0x1082;
	[sflag:s4] =	ssyncset.s32 $0xFFFFF086  }
0x25: {  	[simem:s6], [sflag:s4] =	dma.local [hbm:s3], $0xF7A  }
0x26: {  	[smem:$0x3F91] =	sst s1;
	(tag) =	ssettag s2;
	_ =	strace s9  }
0x27: {  	s1 =	sld [smem:$0x3FA1]  }
0x28: {  	s2 =	sld [smem:$0x3FA2]  }
0x29: {  	s4 =	sld [smem:$0x3FA4]  }
0x2a: {  	p0 =	seq.s32 s5, $0x0;
	s5 =	sld [smem:$0x3FA5]  }
0x2b: {  	s6 =	sld [smem:$0x3FA6]  }
0x2c: {  	s7 =	sld [smem:$0x3FA7]  }
0x2d: {  	s3 =	simm.s32 $0x108;
	s8 =	sld [smem:$0x3FA8]  }
0x2e: {  	s3 =	simm.s32 @!p0 $0x1082;
	s9 =	sld [smem:$0x3FA9]  }
0x2f: {  	lr =	sadd.s32 s0, s3;
	s0 =	sld [smem:$0x3FA0]  }
0x30: {  	s3 =	sld [smem:$0x3FA3]  }
0x31: {  	[smem:$0x3FAC] =	sst s10  }
0x32: {  	s10 =	sld [smem:$0x3FAA];
	_ =	sdelay $0x3  }
0x33: {  	p0 =	seq.s32 s10, $0x1;
	s10 =	sld [smem:$0x3FAC];
	_ =	sdelay $0x3  }
0x34: {  	[smem:$0x3FAC] =	sst s10  }
0x35: {  	s10 =	sld [smem:$0x3FAB];
	_ =	sdelay $0x3  }
0x36: {  	p1 =	seq.s32 s10, $0x1;
	s10 =	sld [smem:$0x3FAC];
	_ =	sdelay $0x3  }
0x37: {  	[smem:$0x3FAC] =	sst s10  }
0x38: {  	s10 =	sld [smem:$0x3FAD]  }
0x39: {  	_ = 	snop;
	(pc) =	sbr.ind lr, $3  }
0x3a: {  	_ = 	snop  }
0x3b: {  	_ = 	snop  }
0x3c: {  	p2 =	seq.s32 s10, $0x1;
	s10 =	sld [smem:$0x3FAC]  }
0x3d: {  	_ =	shalt  }
0x3e: {  	_ =	shalt  }
0x3f: {  	_ =	shalt  }
0x40: {  	_ =	shalt  }
0x41: {  	_ =	shalt  }
0x42: {  	_ =	shalt  }
0x43: {  	_ =	shalt  }
0x44: {  	_ =	shalt  }
0x45: {  	_ =	shalt  }
0x46: {  	_ =	shalt  }
0x47: {  	_ =	shalt  }
0x48: {  	_ =	shalt  }
0x49: {  	_ =	shalt  }
0x4a: {  	_ =	shalt  }
0x4b: {  	_ =	shalt  }
0x4c: {  	_ =	shalt  }
0x4d: {  	_ =	shalt  }
0x4e: {  	_ =	shalt  }
0x4f: {  	_ =	shalt  }
0x50: {  	_ =	shalt  }
0x51: {  	_ =	shalt  }
0x52: {  	_ =	shalt  }
0x53: {  	_ =	shalt  }
0x54: {  	_ =	shalt  }
0x55: {  	_ =	shalt  }
0x56: {  	_ =	shalt  }
0x57: {  	_ =	shalt  }
0x58: {  	_ =	shalt  }
0x59: {  	_ =	shalt  }
0x5a: {  	_ =	shalt  }
0x5b: {  	_ =	shalt  }
0x5c: {  	_ =	shalt  }
0x5d: {  	_ =	shalt  }
0x5e: {  	_ =	shalt  }
0x5f: {  	_ =	shalt  }
0x60: {  	_ =	shalt  }
0x61: {  	_ =	shalt  }
0x62: {  	_ =	shalt  }
0x63: {  	_ =	shalt  }
0x64: {  	_ =	shalt  }
0x65: {  	_ =	shalt  }
0x66: {  	_ =	shalt  }
0x67: {  	_ =	shalt  }
0x68: {  	_ =	shalt  }
0x69: {  	_ =	shalt  }
0x6a: {  	_ =	shalt  }
0x6b: {  	_ =	shalt  }
0x6c: {  	_ =	shalt  }
0x6d: {  	_ =	shalt  }
0x6e: {  	_ =	shalt  }
0x6f: {  	_ =	shalt  }
0x70: {  	_ =	shalt  }
0x71: {  	_ =	shalt  }
0x72: {  	_ =	shalt  }
0x73: {  	_ =	shalt  }
0x74: {  	_ =	shalt  }
0x75: {  	_ =	shalt  }
0x76: {  	_ =	shalt  }
0x77: {  	_ =	shalt  }
0x78: {  	_ =	shalt  }
0x79: {  	_ =	shalt  }
0x7a: {  	_ =	shalt  }
0x7b: {  	_ =	shalt  }
0x7c: {  	_ =	shalt  }
0x7d: {  	_ =	shalt  }
0x7e: {  	_ =	shalt  }
0x7f: {  	_ =	shalt  }
0x80: {  	_ =	shalt  }
0x81: {  	_ =	shalt  }
0x82: {  	_ =	shalt  }
0x83: {  	_ =	shalt  }
0x84: {  	_ =	shalt  }
0x85: {  	_ =	shalt  }
0x86: {  	_ =	shalt  }
0x87: {  	_ =	shalt  }
.Lfunc_end0:
.L_simem_size_0:
called_computation_lowered:
.L_overlay_start_0:
0x88: {  	s2 =	sld [smem:$0x3FD9]  }
0x89: {  	s3 =	sld [smem:$0x3FFE];
	_ =	sdelay $0x1  }
0x8a: {  	s1 =	srdreg.scid  }
0x8b: {  	s0 =	sand.u32 $0x1, s1  }
0x8c: {  	s17 =	sshll.u32 s0, $0xA;
	s2 =	sadd.s32 s3, s2  }
0x8d: {  	s2 =	sadd.s32 s2, s17  }
0x8e: {  	[smem:$0x3FB8] =	sst s2  }
0x8f: {  	_ = 	snop  }
0x90: {  	s2 =	sld [smem:$0x3FD0];
	(tm) =	ssettm $0x1  }
0x91: {  	s18 =	sld [smem:$0x3FFB];
	_ =	sdelay $0x3  }
0x92: {  	_ =	strace s18  }
0x93: {  	s3 =	sld [smem:$0x3FFC];
	_ =	sdelay $0x3  }
0x94: {  	_ =	strace s3  }
0x95: {  	s3 =	sld [smem:$0x3FFD];
	_ =	sdelay $0x3  }
0x96: {  	_ =	strace s3  }
0x97: {  	_ =	strace $0x8FFFFFFF  }
0x98: {  	s19 =	sld [smem:$0x3FDB];
	_ =	sdelay $0x1  }
0x99: {  	s4 =	simm.s32 $_scs_section_size  }
0x9a: {  	s5 =	simm.s32 $_size__tile_overlayer_lowered;
	s6 =	simm.s32 $_tile_overlayer_lowered  }
0x9b: {  	s22 =	simm.s32 $0x1BFF;
	s21 =	sshll.u32 s6, $0x1;
	s3 =	sadd.s32 s4, s19  }
0x9c: {  	s7 =	simm.s32 $0x0;
	s20 =	sshll.u32 s5, $0x1;
	s5 =	sadd.s32 s21, s3  }
0x9d: {  	[timem:s7], [sflag:s22] =	dma.local [hbm:s5], s20  }
0x9e: {  	_ =	swait.ge [sflag:s22], s20  }
0x9f: {  	s4 =	ssub.s32 $0x0, s20;
	[sflag:s22] =	ssyncset.done $0x0  }
0xa0: {  	[sflag:s22] =	ssyncadd.s32 s4;
	_ =	sdelay $0x1  }
0xa1: {  	s23 =	simm.s32 $0x1B8B  }
0xa2: {  	_ =	swait.ge [sflag:s23], $0x1  }
0xa3: {  	[sflag:s23] =	ssyncset.done $0x0  }
0xa4: {  	s25 =	simm.s32 $0x1B8E;
	s24 =	sld [smem:$0x3FFE];
	[sflag:s23] =	ssyncadd.s32 $0xFFFFFFFF  }
0xa5: {  	s26 =	simm.s32 $execute0_lowered;
	[smem:$0x3FD2] =	sst s25  }
0xa6: {  	s5 =	sshll.u32 s26, $0x1;
	_ =	strace $0x80000046;
	[dreg:$0x1] =	wrdreg $0xFFFFFFFF  }
0xa7: {  	s28 =	simm.s32 $_size_execute0_lowered;
	s3 =	sadd.s32 s3, s5;
	[dreg:$0x0] =	wrdreg $0x0  }
0xa8: {  	s5 =	sshll.u32 s28, $0x1;
	[dreg:$0x2] =	wrdreg s3  }
0xa9: {  	[dreg:$0x3] =	wrdreg s5  }
0xaa: {  	[dreg:$0x4] =	wrdreg $0xC0  }
0xab: {  	_ =	task [dreg:s7], $0x5FFFF  }
0xac: {  	[dreg:$0x1] =	wrdreg $0xFFFFFFFF  }
0xad: {  	[dreg:$0x0] =	wrdreg $0x60  }
0xae: {  	[dreg:$0x2] =	wrdreg s24  }
0xaf: {  	[dreg:$0x3] =	wrdreg s2  }
0xb0: {  	[dreg:$0x4] =	wrdreg $0x9  }
0xb1: {  	_ =	task.clear_ibuf [dreg:s7], $0x5FFFF;
	_ =	strace $0x90000046  }
0xb2: {  	s29 =	simm.s32 $0x9;
	_ =	strace $0x80000048  }
0xb3: {  	_ =	swait.ge [sflag:s29], $0x1  }
0xb4: {  	[sflag:s29] =	ssyncadd.s32 $0xFFFFFFFF  }
0xb5: {  	_ =	strace $0x90000048  }
0xb6: {  	_ =	sfence  }
0xb7: {  	s30 =	sld [smem:$0x0];
	_ =	sdelay $0x2  }
0xb8: {  	s31 =	sshll.u32 s1, $0xD;
	s1 =	sshrl.u32 s1, $0x2  }
0xb9: {  	s3 =	sand.u32 $0x4000, s31;
	s1 =	sadd.s32 s1, s30  }
0xba: {  	s0 =	sor.u32 s3, s0;
	s1 =	sshll.u32 s1, $0x11  }
0xbb: {  	s0 =	sor.u32 s1, s0  }
0xbc: {  	s0 =	sadd.s32 $0x8F2B, s0  }
0xbd: {  	[sflag:s0] =	ssyncadd.remote.s32 $0x1  }
0xbe: {  	_ =	sfence.sel $0xFFFF  }
0xbf: {  	[dreg:$0x0] =	wrdreg $0xFFFFFFFF;
	(pc) =	sbr.abs _section_cstart, $3  }
0xc0: {  	[dreg:$0x1] =	wrdreg $0xFFFFFFFF  }
0xc1: {  	_ =	task.clear_ibuf [dreg:s7], $0x2FFFF;
	_ =	strace $0x9FFFFFFF  }
0xc2: {  	(tm) =	ssettm $0x7FFFFFFF  }
0xc3: {  	_ =	shalt  }
tec
execute0_lowered:
.L_overlay_start_1:
0x0: {  	(tag) =	ssettag $0x1  }
0x1: {  	s1 =	srdreg.scid  }
0x2: {  	s0 =	stileid.u32;
	s6 =	sand.u32 $0x1, s1  }
0x3: {  	s5 =	rddreg [dreg:$0x0];
	s30 =	sshll.u32 s0, $0xD;
	s2 =	sshll.u32 s6, $0xC  }
0x4: {  	s8 =	rddreg [dreg:$0x1];
	s9 =	sor.u32 s2, s30  }
0x5: {  	s1 =	rddreg [dreg:$0x2];
	s2 =	simm.s32 $0x0;
	s3 =	sshrl.u32 s9, $0x3  }
0x6: {  	s10 =	ssub.s32 $0x2, s6;
	[smem:$0x7FF] =	sst s2;
	s3 =	sadd.s32 s3, s5  }
0x7: {  	_ =	strace $0x80000047;
	s4 =	sadd.s32 $0x6A00, s3;
	s3 =	simm.s32 $0x2  }
0x8: {  	[tilespmem:s2], [sflag:$0x2] =	stream.linear.gather [hbm4b:s4+s2], $0x1000, $0x38;
	[tilespmem:$0x11000] =	vst v63  }
0x9: {  	s7 =	simm.s32 $0x1;
	s11 =	sshrl.u32 s10, $0x1;
	_ =	swait.ge [sflag:s3], $0x1000  }
0xa: {  	s6 =	simm.s32 $0x1000;
	s10 =	ssub.s32 s10, s11;
	[sflag:s3] =	ssyncset.done $0x0  }
0xb: {  	s5 =	sadd.s32 $0x2A00, s5;
	s31 =	smax.u32 s10, $0x1;
	[sflag:s3] =	ssyncadd.s32 $0xFFFFF000  }
0xc: {  	[tilespmem:s6], [sflag:$0x1] =	stream.indirect.gather [hbm4b:s5+s6], $0x10, s2, s6, $0xb8;
	[tilespmem:$0x11000] =	vst v63  }
0xd: {  	p0 =	sne.s32 s31, $0x1;
	_ =	swait.ge [sflag:s7], $0x10000  }
.Ltmp0:
0xe: {  	s9 =	sshll.u32 s9, $0x1;
	[sflag:s7] =	ssyncset.done $0x0;
	(pc) =	sbr.rel @!p0 .LBB2_2-.Ltmp0, $4  }
0xf: {  	s8 =	sadd.s32 s8, s9;
	[sflag:s7] =	ssyncadd.s32 $0xFFFF0000  }
0x10: {  	[hbm4b:s8+s2] =	stream.linear.scatter [tilespmem:s6], [sflag:$0x2], $0x10000, $0x38;
	[tilespmem:$0x11000] =	vst v63  }
0x11: {  	_ =	swait.ge [sflag:s3], $0x10000  }
0x12: {  	s9 =	sadd.s32 $0xFFFFFFFF, s31;
	[sflag:s3] =	ssyncset.done $0x0  }
.LBB2_1:
0x13: {  	p0 =	sne.s32 s9, $0x1;
	s9 =	sadd.s32 $0xFFFFFFFF, s9;
	[sflag:s3] =	ssyncadd.s32 $0xFFFF0000  }
0x14: {  	[tilespmem:s2], [sflag:$0x2] =	stream.linear.gather [hbm4b:s4+s2], $0x1000, $0x38;
	[tilespmem:$0x11000] =	vst v63  }
0x15: {  	_ =	swait.ge [sflag:s3], $0x1000  }
0x16: {  	[sflag:s3] =	ssyncset.done $0x0  }
0x17: {  	[sflag:s3] =	ssyncadd.s32 $0xFFFFF000  }
0x18: {  	[tilespmem:s6], [sflag:$0x1] =	stream.indirect.gather [hbm4b:s5+s6], $0x10, s2, s6, $0xb8;
	[tilespmem:$0x11000] =	vst v63  }
0x19: {  	_ =	swait.ge [sflag:s7], $0x10000  }
.Ltmp1:
0x1a: {  	[sflag:s7] =	ssyncset.done $0x0;
	(pc) =	sbr.rel @p0 .LBB2_1-.Ltmp1, $4  }
0x1b: {  	[sflag:s7] =	ssyncadd.s32 $0xFFFF0000  }
0x1c: {  	[hbm4b:s8+s2] =	stream.linear.scatter [tilespmem:s6], [sflag:$0x2], $0x10000, $0x38;
	[tilespmem:$0x11000] =	vst v63  }
0x1d: {  	_ =	swait.ge [sflag:s3], $0x10000  }
0x1e: {  	[sflag:s3] =	ssyncset.done $0x0  }
.LBB2_2:
0x1f: {  	[sflag:s3] =	ssyncadd.s32 $0xFFFF0000  }
0x20: {  	_ =	sfence.sel $0x180000  }
0x21: {  	[bflag:$0x0] =	sbarrier.arrive $0xFFFF  }
0x22: {  	p0 =	sne.s32 s0, $0x0;
	_ =	strace $0x90000047  }
0x23: {  	s0 =	sadd.s32 @!p0 $0x100000, s1;
	[bflag:$0x2] =	sbarrier.arrive $0xFFFF  }
0x24: {  	[sflag:s0] =	ssyncadd.tile.s32 @!p0 $0x1;
	_ =	shalt  }
.Lfunc_end2:
_tile_overlayer_lowered:
.L_overlay_start_2:
0x25: {  	(tag) =	ssettag $0x2  }
0x26: {  	s0 =	rddreg [dreg:$0x0];
	s2 =	stileid.u32  }
0x27: {  	s1 =	rddreg [dreg:$0x1];
	p0 =	sne.s32 s2, $0x0  }
0x28: {  	s3 =	rddreg [dreg:$0x2];
	[bflag:$0x3] =	sbarrier.arrive $0xFFFF;
	s2 =	simm.s32 @!p0 $0x1C02  }
0x29: {  	[timem:s3], [sflag:s2] =	dma.local @!p0 [hbm:s0], s1  }
0x2a: {  	s0 =	simm.s32 @!p0 $0x2  }
0x2b: {  	_ =	swait.ge @!p0 [sflag:s0], s1  }
0x2c: {  	s1 =	ssub.s32 @!p0 $0x0, s1;
	[sflag:s0] =	ssyncset.done @!p0 $0x0  }
0x2d: {  	[sflag:s0] =	ssyncadd.s32 @!p0 s1  }
0x2e: {  	[bflag:$0x3] =	sbarrier.arrive $0xFFFF  }
0x2f: {  	_ =	shalt  }

</sc_bundles>
